<compile_context>
chip_gen: v7x
topology: tpu7x:2x2x1
jax: 0.10.2.dev20260603
libtpu: 0.0.44.dev20260713+nightly
codegen_flags: <defaults>
</compile_context>

<pallas_src>
import functools

import jax
import jax.numpy as jnp
from jax import lax
from jax.experimental import pallas as pl
from jax.experimental.pallas import tpu as pltpu
from jax.experimental.pallas import tpu_sc as plsc

_B = 8
_N = 8192
_NC = 2
_NS = 16
_NW = _NC * _NS
_PTS_PER_W = (_B * _N) // _NW
_CHUNK = _PTS_PER_W * 3
_STEPS = _PTS_PER_W // 16


def _sc_body(pts_hbm, out_hbm, pts_v, hist_v, red_v, comb_v, stage_hbm, sem):
    c = lax.axis_index("c")
    s = lax.axis_index("s")
    wid = c * _NS + s

    cp = pltpu.async_copy(pts_hbm.at[pl.ds(wid * _CHUNK, _CHUNK)], pts_v, sem)

    lane = lax.iota(jnp.int32, 16)
    zeros = jnp.zeros((16,), jnp.float32)
    ones = jnp.ones((16,), jnp.float32)

    for i in range(_NS * 8):
        hist_v[pl.ds(i * 16, 16)] = zeros

    cp.wait()

    idx_x = lane * 3
    lane_base = lane * 128

    def one_step(ix):
        x = plsc.load_gather(pts_v, [ix])
        y = plsc.load_gather(pts_v, [ix + 1])
        z = plsc.load_gather(pts_v, [ix + 2])

        x2 = x * x
        y2 = y * y
        z2 = z * z
        s2 = (x2 + y2) + z2

        ri = (jnp.where(s2 >= 1.0, 1, 0)
              + jnp.where(s2 >= 4.0, 1, 0)
              + jnp.where(s2 >= 9.0, 1, 0))

        py = y > 0.0
        ny = y < 0.0
        px = x > 0.0
        nx = x < 0.0
        a = jnp.where(py & px, jnp.where(y >= x, 1, 0),
            jnp.where(py,      jnp.where(y > -x, 2, 3),
            jnp.where(ny & nx, jnp.where(y > x, 4, 5),
            jnp.where(ny,      jnp.where(-y > x, 6, 7),
            jnp.where(nx, 4, 0)))))

        t2 = 2.0 * z2
        zle = z <= 0.0
        zlt = z < 0.0
        e = (jnp.where(zle | (t2 <= s2), 1, 0)
             + jnp.where(zle, 1, 0)
             + jnp.where(zlt & (t2 >= s2), 1, 0))

        valid = (s2 < 16.0) & jnp.logical_not(zlt & (z2 >= s2))
        bin_ = jnp.where(valid, lane_base + (ri * 32 + a * 4 + e),
                         _NS * 128 + lane)
        plsc.addupdate_scatter(hist_v, [bin_], ones)

    _UNROLL = 4

    def step(i, carry):
        base = idx_x + i * (48 * _UNROLL)
        for u in range(_UNROLL):
            one_step(base + u * 48)
        return carry

    lax.fori_loop(0, _STEPS // _UNROLL, step, 0)

    for j in range(8):
        acc = hist_v[pl.ds(j * 16, 16)]
        for l in range(1, 16):
            acc = acc + hist_v[pl.ds(l * 128 + j * 16, 16)]
        red_v[j, :] = acc

    pltpu.sync_copy(red_v, stage_hbm.at[wid])
    plsc.subcore_barrier()

    @pl.when(s < 4)
    def _():
        pltpu.sync_copy(stage_hbm.at[pl.ds(c * _NS + s * 4, 4)], comb_v)
        for j in range(8):
            acc = ((comb_v[0, j, :] + comb_v[1, j, :])
                   + (comb_v[2, j, :] + comb_v[3, j, :]))
            red_v[j, :] = acc
        pltpu.sync_copy(red_v, out_hbm.at[c * 4 + s])


_sc_voxelize = functools.partial(
    pl.kernel,
    mesh=plsc.VectorSubcoreMesh(core_axis_name="c", subcore_axis_name="s"),
    compiler_params=pltpu.CompilerParams(needs_layout_passes=False),
    out_type=jax.ShapeDtypeStruct((_B, 8, 16), jnp.float32),
    scratch_types=[
        pltpu.VMEM((_CHUNK,), jnp.float32),
        pltpu.VMEM((_NS * 128 + 16,), jnp.float32),
        pltpu.VMEM((8, 16), jnp.float32),
        pltpu.VMEM((4, 8, 16), jnp.float32),
        pltpu.HBM((_NW, 8, 16), jnp.float32),
        pltpu.SemaphoreType.DMA,
    ],
)(_sc_body)


def kernel(points):
    B, N, _ = points.shape
    flat = points.reshape(-1)
    out = _sc_voxelize(flat)
    return out.reshape(B, 1, 4, 8, 4)

# --- scband reference (transcript-rebuilt; emitter-appended) ---
"""Pipeline reference for scband-spherical-voxelization-69020124447043 (READ-ONLY COPY).

The authoritative reference and input builder live on the scoring server;
editing this copy changes nothing except your own understanding.
"""

import jax, jax.numpy as jnp
import numpy as np
import math

DES_R = 4.0
RAD_N = 4
AZI_N = 8
ELE_N = 4


def xyz2spherical(points):
    x = points[..., 0]
    y = points[..., 1]
    z = points[..., 2]
    r = jnp.sqrt(x * x + y * y + z * z)
    azi = jnp.arctan2(y, x)
    azi = jnp.where(azi < 0.0, azi + 2.0 * math.pi, azi)
    ele = jnp.arccos(jnp.clip(z / jnp.maximum(r, 1e-12), -1.0, 1.0))
    return jnp.stack([r, azi, ele], axis=-1)


def setup_inputs(seed: int = 0) -> dict:
    key = jax.random.key(seed)
    points = jax.random.normal(key, (8, 8192, 3), dtype=jnp.float32)
    return {"points": points}


def reference(points):
    B, N, _ = points.shape
    pts = xyz2spherical(points)  # [B, N, 3] -> (r, azi, ele)
    # per-point encoded bin position (same encoding as torch reference)
    pts_position = (
        jnp.floor(pts[:, :, 0] / (DES_R / RAD_N)) * 1.0
        + jnp.floor(pts[:, :, 1] / (2.0 * math.pi / AZI_N)) * 100.0
        + jnp.floor(pts[:, :, 2] / (math.pi / ELE_N)) * 10000.0
    )  # [B, N]
    rad_idx = jnp.arange(RAD_N, dtype=jnp.float32).reshape(RAD_N, 1, 1)
    azi_idx = jnp.arange(AZI_N, dtype=jnp.float32).reshape(1, AZI_N, 1)
    ele_idx = jnp.arange(ELE_N, dtype=jnp.float32).reshape(1, 1, ELE_N)
    space_position = rad_idx * 1.0 + azi_idx * 100.0 + ele_idx * 10000.0  # [RAD_N, AZI_N, ELE_N]
    match = (pts_position[:, :, None, None, None] == space_position[None, None, :, :, :]).astype(jnp.float32)
    hist = jnp.sum(match, axis=1)  # [B, RAD_N, AZI_N, ELE_N]
    x = hist.reshape(B, 1, RAD_N, AZI_N, ELE_N)
    return x

if __name__ == "__main__":
    import jax
    _d = setup_inputs()
    print(jax.jit(kernel)(*tuple(_d.values())))

</pallas_src>

<mosaic_0001>
#map = affine_map<(d0, d1) -> (0)>
#map1 = affine_map<(d0, d1) -> (0, 0, 0)>
module attributes {stable_mosaic.version = 14 : i64} {
  func.func @_sc_body(%arg0: i32, %arg1: i32, %arg2: memref<196608xf32, #tpu.memory_space<hbm>>, %arg3: memref<8x8x16xf32, #tpu.memory_space<hbm>>, %arg4: memref<6144xf32, #tpu.memory_space<vmem>>, %arg5: memref<2064xf32, #tpu.memory_space<vmem>>, %arg6: memref<8x16xf32, #tpu.memory_space<vmem>>, %arg7: memref<4x8x16xf32, #tpu.memory_space<vmem>>, %arg8: memref<32x8x16xf32, #tpu.memory_space<hbm>>, %arg9: memref<!tpu.dma_semaphore, #tpu.memory_space<semaphore_mem>>) attributes {dimension_semantics = [#tpu.dimension_semantics<core_parallel>, #tpu.dimension_semantics<subcore_parallel>], iteration_bounds = array<i64: 2, 16>, scalar_prefetch = 0 : i64, scratch_operands = 6 : i64, tpu.core_type = #tpu.core_type<sc_vector_subcore>, window_params = [{transform_indices = #map}, {transform_indices = #map1}]} {
    %mul3A = arith.constant 16 : i32
    %mul3A_0 = arith.muli %arg0, %mul3A : i32
    %add3A = arith.addi %mul3A_0, %arg1 : i32
    %mul3A_1 = arith.constant 6144 : i32
    %mul3A_2 = arith.muli %add3A, %mul3A_1 : i32
    %dma_start3A = tpu.memref_slice %arg2[%mul3A_2] : memref<196608xf32, #tpu.memory_space<hbm>> -> memref<6144xf32, #tpu.memory_space<hbm>>
    %dma_start3A_3 = tpu.memref_slice %arg2[%mul3A_2] : memref<196608xf32, #tpu.memory_space<hbm>> -> memref<6144xf32, #tpu.memory_space<hbm>>
    tpu.enqueue_dma source(%dma_start3A_3 : memref<6144xf32, #tpu.memory_space<hbm>>) target(%arg4 : memref<6144xf32, #tpu.memory_space<vmem>>) target_semaphore(%arg9 : memref<!tpu.dma_semaphore, #tpu.memory_space<semaphore_mem>>)
    %iota3A = tpu.iota {dimensions = array<i32: 0>} : vector<16xi32>
    %broadcast_in_dim3A = arith.constant 0.000000e+00 : f32
    %broadcast_in_dim3A_4 = vector.broadcast %broadcast_in_dim3A : f32 to vector<16xf32>
    %broadcast_in_dim3A_5 = arith.constant 1.000000e+00 : f32
    %broadcast_in_dim3A_6 = vector.broadcast %broadcast_in_dim3A_5 : f32 to vector<16xf32>
    %swap3A = arith.constant 0 : index
    %swap3A_7 = tpu.vector_load %arg5[%swap3A] {strides = array<i32>} : memref<2064xf32, #tpu.memory_space<vmem>>, vector<16xf32>,
    tpu.vector_store %arg5[%swap3A], %broadcast_in_dim3A_4 {strides = array<i32>} : memref<2064xf32, #tpu.memory_space<vmem>>, vector<16xf32>,
    %swap3A_8 = arith.constant 16 : index
    %swap3A_9 = tpu.vector_load %arg5[%swap3A_8] {strides = array<i32>} : memref<2064xf32, #tpu.memory_space<vmem>>, vector<16xf32>,
    tpu.vector_store %arg5[%swap3A_8], %broadcast_in_dim3A_4 {strides = array<i32>} : memref<2064xf32, #tpu.memory_space<vmem>>, vector<16xf32>,
    %swap3A_10 = arith.constant 32 : index
    %swap3A_11 = tpu.vector_load %arg5[%swap3A_10] {strides = array<i32>} : memref<2064xf32, #tpu.memory_space<vmem>>, vector<16xf32>,
    tpu.vector_store %arg5[%swap3A_10], %broadcast_in_dim3A_4 {strides = array<i32>} : memref<2064xf32, #tpu.memory_space<vmem>>, vector<16xf32>,
    %swap3A_12 = arith.constant 48 : index
    %swap3A_13 = tpu.vector_load %arg5[%swap3A_12] {strides = array<i32>} : memref<2064xf32, #tpu.memory_space<vmem>>, vector<16xf32>,
    tpu.vector_store %arg5[%swap3A_12], %broadcast_in_dim3A_4 {strides = array<i32>} : memref<2064xf32, #tpu.memory_space<vmem>>, vector<16xf32>,
    %swap3A_14 = arith.constant 64 : index
    %swap3A_15 = tpu.vector_load %arg5[%swap3A_14] {strides = array<i32>} : memref<2064xf32, #tpu.memory_space<vmem>>, vector<16xf32>,
    tpu.vector_store %arg5[%swap3A_14], %broadcast_in_dim3A_4 {strides = array<i32>} : memref<2064xf32, #tpu.memory_space<vmem>>, vector<16xf32>,
    %swap3A_16 = arith.constant 80 : index
    %swap3A_17 = tpu.vector_load %arg5[%swap3A_16] {strides = array<i32>} : memref<2064xf32, #tpu.memory_space<vmem>>, vector<16xf32>,
    tpu.vector_store %arg5[%swap3A_16], %broadcast_in_dim3A_4 {strides = array<i32>} : memref<2064xf32, #tpu.memory_space<vmem>>, vector<16xf32>,
    %swap3A_18 = arith.constant 96 : index
    %swap3A_19 = tpu.vector_load %arg5[%swap3A_18] {strides = array<i32>} : memref<2064xf32, #tpu.memory_space<vmem>>, vector<16xf32>,
    tpu.vector_store %arg5[%swap3A_18], %broadcast_in_dim3A_4 {strides = array<i32>} : memref<2064xf32, #tpu.memory_space<vmem>>, vector<16xf32>,
    %swap3A_20 = arith.constant 112 : index
    %swap3A_21 = tpu.vector_load %arg5[%swap3A_20] {strides = array<i32>} : memref<2064xf32, #tpu.memory_space<vmem>>, vector<16xf32>,
    tpu.vector_store %arg5[%swap3A_20], %broadcast_in_dim3A_4 {strides = array<i32>} : memref<2064xf32, #tpu.memory_space<vmem>>, vector<16xf32>,
    %swap3A_22 = arith.constant 128 : index
    %swap3A_23 = tpu.vector_load %arg5[%swap3A_22] {strides = array<i32>} : memref<2064xf32, #tpu.memory_space<vmem>>, vector<16xf32>,
    tpu.vector_store %arg5[%swap3A_22], %broadcast_in_dim3A_4 {strides = array<i32>} : memref<2064xf32, #tpu.memory_space<vmem>>, vector<16xf32>,
    %swap3A_24 = arith.constant 144 : index
    %swap3A_25 = tpu.vector_load %arg5[%swap3A_24] {strides = array<i32>} : memref<2064xf32, #tpu.memory_space<vmem>>, vector<16xf32>,
    tpu.vector_store %arg5[%swap3A_24], %broadcast_in_dim3A_4 {strides = array<i32>} : memref<2064xf32, #tpu.memory_space<vmem>>, vector<16xf32>,
    %swap3A_26 = arith.constant 160 : index
    %swap3A_27 = tpu.vector_load %arg5[%swap3A_26] {strides = array<i32>} : memref<2064xf32, #tpu.memory_space<vmem>>, vector<16xf32>,
    tpu.vector_store %arg5[%swap3A_26], %broadcast_in_dim3A_4 {strides = array<i32>} : memref<2064xf32, #tpu.memory_space<vmem>>, vector<16xf32>,
    %swap3A_28 = arith.constant 176 : index
    %swap3A_29 = tpu.vector_load %arg5[%swap3A_28] {strides = array<i32>} : memref<2064xf32, #tpu.memory_space<vmem>>, vector<16xf32>,
    tpu.vector_store %arg5[%swap3A_28], %broadcast_in_dim3A_4 {strides = array<i32>} : memref<2064xf32, #tpu.memory_space<vmem>>, vector<16xf32>,
    %swap3A_30 = arith.constant 192 : index
    %swap3A_31 = tpu.vector_load %arg5[%swap3A_30] {strides = array<i32>} : memref<2064xf32, #tpu.memory_space<vmem>>, vector<16xf32>,
    tpu.vector_store %arg5[%swap3A_30], %broadcast_in_dim3A_4 {strides = array<i32>} : memref<2064xf32, #tpu.memory_space<vmem>>, vector<16xf32>,
    %swap3A_32 = arith.constant 208 : index
    %swap3A_33 = tpu.vector_load %arg5[%swap3A_32] {strides = array<i32>} : memref<2064xf32, #tpu.memory_space<vmem>>, vector<16xf32>,
    tpu.vector_store %arg5[%swap3A_32], %broadcast_in_dim3A_4 {strides = array<i32>} : memref<2064xf32, #tpu.memory_space<vmem>>, vector<16xf32>,
    %swap3A_34 = arith.constant 224 : index
    %swap3A_35 = tpu.vector_load %arg5[%swap3A_34] {strides = array<i32>} : memref<2064xf32, #tpu.memory_space<vmem>>, vector<16xf32>,
    tpu.vector_store %arg5[%swap3A_34], %broadcast_in_dim3A_4 {strides = array<i32>} : memref<2064xf32, #tpu.memory_space<vmem>>, vector<16xf32>,
    %swap3A_36 = arith.constant 240 : index
    %swap3A_37 = tpu.vector_load %arg5[%swap3A_36] {strides = array<i32>} : memref<2064xf32, #tpu.memory_space<vmem>>, vector<16xf32>,
    tpu.vector_store %arg5[%swap3A_36], %broadcast_in_dim3A_4 {strides = array<i32>} : memref<2064xf32, #tpu.memory_space<vmem>>, vector<16xf32>,
    %swap3A_38 = arith.constant 256 : index
    %swap3A_39 = tpu.vector_load %arg5[%swap3A_38] {strides = array<i32>} : memref<2064xf32, #tpu.memory_space<vmem>>, vector<16xf32>,
    tpu.vector_store %arg5[%swap3A_38], %broadcast_in_dim3A_4 {strides = array<i32>} : memref<2064xf32, #tpu.memory_space<vmem>>, vector<16xf32>,
    %swap3A_40 = arith.constant 272 : index
    %swap3A_41 = tpu.vector_load %arg5[%swap3A_40] {strides = array<i32>} : memref<2064xf32, #tpu.memory_space<vmem>>, vector<16xf32>,
    tpu.vector_store %arg5[%swap3A_40], %broadcast_in_dim3A_4 {strides = array<i32>} : memref<2064xf32, #tpu.memory_space<vmem>>, vector<16xf32>,
    %swap3A_42 = arith.constant 288 : index
    %swap3A_43 = tpu.vector_load %arg5[%swap3A_42] {strides = array<i32>} : memref<2064xf32, #tpu.memory_space<vmem>>, vector<16xf32>,
    tpu.vector_store %arg5[%swap3A_42], %broadcast_in_dim3A_4 {strides = array<i32>} : memref<2064xf32, #tpu.memory_space<vmem>>, vector<16xf32>,
    %swap3A_44 = arith.constant 304 : index
    %swap3A_45 = tpu.vector_load %arg5[%swap3A_44] {strides = array<i32>} : memref<2064xf32, #tpu.memory_space<vmem>>, vector<16xf32>,
    tpu.vector_store %arg5[%swap3A_44], %broadcast_in_dim3A_4 {strides = array<i32>} : memref<2064xf32, #tpu.memory_space<vmem>>, vector<16xf32>,
    %swap3A_46 = arith.constant 320 : index
    %swap3A_47 = tpu.vector_load %arg5[%swap3A_46] {strides = array<i32>} : memref<2064xf32, #tpu.memory_space<vmem>>, vector<16xf32>,
    tpu.vector_store %arg5[%swap3A_46], %broadcast_in_dim3A_4 {strides = array<i32>} : memref<2064xf32, #tpu.memory_space<vmem>>, vector<16xf32>,
    %swap3A_48 = arith.constant 336 : index
    %swap3A_49 = tpu.vector_load %arg5[%swap3A_48] {strides = array<i32>} : memref<2064xf32, #tpu.memory_space<vmem>>, vector<16xf32>,
    tpu.vector_store %arg5[%swap3A_48], %broadcast_in_dim3A_4 {strides = array<i32>} : memref<2064xf32, #tpu.memory_space<vmem>>, vector<16xf32>,
    %swap3A_50 = arith.constant 352 : index
    %swap3A_51 = tpu.vector_load %arg5[%swap3A_50] {strides = array<i32>} : memref<2064xf32, #tpu.memory_space<vmem>>, vector<16xf32>,
    tpu.vector_store %arg5[%swap3A_50], %broadcast_in_dim3A_4 {strides = array<i32>} : memref<2064xf32, #tpu.memory_space<vmem>>, vector<16xf32>,
    %swap3A_52 = arith.constant 368 : index
    %swap3A_53 = tpu.vector_load %arg5[%swap3A_52] {strides = array<i32>} : memref<2064xf32, #tpu.memory_space<vmem>>, vector<16xf32>,
    tpu.vector_store %arg5[%swap3A_52], %broadcast_in_dim3A_4 {strides = array<i32>} : memref<2064xf32, #tpu.memory_space<vmem>>, vector<16xf32>,
    %swap3A_54 = arith.constant 384 : index
    %swap3A_55 = tpu.vector_load %arg5[%swap3A_54] {strides = array<i32>} : memref<2064xf32, #tpu.memory_space<vmem>>, vector<16xf32>,
    tpu.vector_store %arg5[%swap3A_54], %broadcast_in_dim3A_4 {strides = array<i32>} : memref<2064xf32, #tpu.memory_space<vmem>>, vector<16xf32>,
    %swap3A_56 = arith.constant 400 : index
    %swap3A_57 = tpu.vector_load %arg5[%swap3A_56] {strides = array<i32>} : memref<2064xf32, #tpu.memory_space<vmem>>, vector<16xf32>,
    tpu.vector_store %arg5[%swap3A_56], %broadcast_in_dim3A_4 {strides = array<i32>} : memref<2064xf32, #tpu.memory_space<vmem>>, vector<16xf32>,
    %swap3A_58 = arith.constant 416 : index
    %swap3A_59 = tpu.vector_load %arg5[%swap3A_58] {strides = array<i32>} : memref<2064xf32, #tpu.memory_space<vmem>>, vector<16xf32>,
    tpu.vector_store %arg5[%swap3A_58], %broadcast_in_dim3A_4 {strides = array<i32>} : memref<2064xf32, #tpu.memory_space<vmem>>, vector<16xf32>,
    %swap3A_60 = arith.constant 432 : index
    %swap3A_61 = tpu.vector_load %arg5[%swap3A_60] {strides = array<i32>} : memref<2064xf32, #tpu.memory_space<vmem>>, vector<16xf32>,
    tpu.vector_store %arg5[%swap3A_60], %broadcast_in_dim3A_4 {strides = array<i32>} : memref<2064xf32, #tpu.memory_space<vmem>>, vector<16xf32>,
    %swap3A_62 = arith.constant 448 : index
    %swap3A_63 = tpu.vector_load %arg5[%swap3A_62] {strides = array<i32>} : memref<2064xf32, #tpu.memory_space<vmem>>, vector<16xf32>,
    tpu.vector_store %arg5[%swap3A_62], %broadcast_in_dim3A_4 {strides = array<i32>} : memref<2064xf32, #tpu.memory_space<vmem>>, vector<16xf32>,
    %swap3A_64 = arith.constant 464 : index
    %swap3A_65 = tpu.vector_load %arg5[%swap3A_64] {strides = array<i32>} : memref<2064xf32, #tpu.memory_space<vmem>>, vector<16xf32>,
    tpu.vector_store %arg5[%swap3A_64], %broadcast_in_dim3A_4 {strides = array<i32>} : memref<2064xf32, #tpu.memory_space<vmem>>, vector<16xf32>,
    %swap3A_66 = arith.constant 480 : index
    %swap3A_67 = tpu.vector_load %arg5[%swap3A_66] {strides = array<i32>} : memref<2064xf32, #tpu.memory_space<vmem>>, vector<16xf32>,
    tpu.vector_store %arg5[%swap3A_66], %broadcast_in_dim3A_4 {strides = array<i32>} : memref<2064xf32, #tpu.memory_space<vmem>>, vector<16xf32>,
    %swap3A_68 = arith.constant 496 : index
    %swap3A_69 = tpu.vector_load %arg5[%swap3A_68] {strides = array<i32>} : memref<2064xf32, #tpu.memory_space<vmem>>, vector<16xf32>,
    tpu.vector_store %arg5[%swap3A_68], %broadcast_in_dim3A_4 {strides = array<i32>} : memref<2064xf32, #tpu.memory_space<vmem>>, vector<16xf32>,
    %swap3A_70 = arith.constant 512 : index
    %swap3A_71 = tpu.vector_load %arg5[%swap3A_70] {strides = array<i32>} : memref<2064xf32, #tpu.memory_space<vmem>>, vector<16xf32>,
    tpu.vector_store %arg5[%swap3A_70], %broadcast_in_dim3A_4 {strides = array<i32>} : memref<2064xf32, #tpu.memory_space<vmem>>, vector<16xf32>,
    %swap3A_72 = arith.constant 528 : index
    %swap3A_73 = tpu.vector_load %arg5[%swap3A_72] {strides = array<i32>} : memref<2064xf32, #tpu.memory_space<vmem>>, vector<16xf32>,
    tpu.vector_store %arg5[%swap3A_72], %broadcast_in_dim3A_4 {strides = array<i32>} : memref<2064xf32, #tpu.memory_space<vmem>>, vector<16xf32>,
    %swap3A_74 = arith.constant 544 : index
    %swap3A_75 = tpu.vector_load %arg5[%swap3A_74] {strides = array<i32>} : memref<2064xf32, #tpu.memory_space<vmem>>, vector<16xf32>,
    tpu.vector_store %arg5[%swap3A_74], %broadcast_in_dim3A_4 {strides = array<i32>} : memref<2064xf32, #tpu.memory_space<vmem>>, vector<16xf32>,
    %swap3A_76 = arith.constant 560 : index
    %swap3A_77 = tpu.vector_load %arg5[%swap3A_76] {strides = array<i32>} : memref<2064xf32, #tpu.memory_space<vmem>>, vector<16xf32>,
    tpu.vector_store %arg5[%swap3A_76], %broadcast_in_dim3A_4 {strides = array<i32>} : memref<2064xf32, #tpu.memory_space<vmem>>, vector<16xf32>,
    %swap3A_78 = arith.constant 576 : index
    %swap3A_79 = tpu.vector_load %arg5[%swap3A_78] {strides = array<i32>} : memref<2064xf32, #tpu.memory_space<vmem>>, vector<16xf32>,
    tpu.vector_store %arg5[%swap3A_78], %broadcast_in_dim3A_4 {strides = array<i32>} : memref<2064xf32, #tpu.memory_space<vmem>>, vector<16xf32>,
    %swap3A_80 = arith.constant 592 : index
    %swap3A_81 = tpu.vector_load %arg5[%swap3A_80] {strides = array<i32>} : memref<2064xf32, #tpu.memory_space<vmem>>, vector<16xf32>,
    tpu.vector_store %arg5[%swap3A_80], %broadcast_in_dim3A_4 {strides = array<i32>} : memref<2064xf32, #tpu.memory_space<vmem>>, vector<16xf32>,
    %swap3A_82 = arith.constant 608 : index
    %swap3A_83 = tpu.vector_load %arg5[%swap3A_82] {strides = array<i32>} : memref<2064xf32, #tpu.memory_space<vmem>>, vector<16xf32>,
    tpu.vector_store %arg5[%swap3A_82], %broadcast_in_dim3A_4 {strides = array<i32>} : memref<2064xf32, #tpu.memory_space<vmem>>, vector<16xf32>,
    %swap3A_84 = arith.constant 624 : index
    %swap3A_85 = tpu.vector_load %arg5[%swap3A_84] {strides = array<i32>} : memref<2064xf32, #tpu.memory_space<vmem>>, vector<16xf32>,
    tpu.vector_store %arg5[%swap3A_84], %broadcast_in_dim3A_4 {strides = array<i32>} : memref<2064xf32, #tpu.memory_space<vmem>>, vector<16xf32>,
    %swap3A_86 = arith.constant 640 : index
    %swap3A_87 = tpu.vector_load %arg5[%swap3A_86] {strides = array<i32>} : memref<2064xf32, #tpu.memory_space<vmem>>, vector<16xf32>,
    tpu.vector_store %arg5[%swap3A_86], %broadcast_in_dim3A_4 {strides = array<i32>} : memref<2064xf32, #tpu.memory_space<vmem>>, vector<16xf32>,
    %swap3A_88 = arith.constant 656 : index
    %swap3A_89 = tpu.vector_load %arg5[%swap3A_88] {strides = array<i32>} : memref<2064xf32, #tpu.memory_space<vmem>>, vector<16xf32>,
    tpu.vector_store %arg5[%swap3A_88], %broadcast_in_dim3A_4 {strides = array<i32>} : memref<2064xf32, #tpu.memory_space<vmem>>, vector<16xf32>,
    %swap3A_90 = arith.constant 672 : index
    %swap3A_91 = tpu.vector_load %arg5[%swap3A_90] {strides = array<i32>} : memref<2064xf32, #tpu.memory_space<vmem>>, vector<16xf32>,
    tpu.vector_store %arg5[%swap3A_90], %broadcast_in_dim3A_4 {strides = array<i32>} : memref<2064xf32, #tpu.memory_space<vmem>>, vector<16xf32>,
    %swap3A_92 = arith.constant 688 : index
    %swap3A_93 = tpu.vector_load %arg5[%swap3A_92] {strides = array<i32>} : memref<2064xf32, #tpu.memory_space<vmem>>, vector<16xf32>,
    tpu.vector_store %arg5[%swap3A_92], %broadcast_in_dim3A_4 {strides = array<i32>} : memref<2064xf32, #tpu.memory_space<vmem>>, vector<16xf32>,
    %swap3A_94 = arith.constant 704 : index
    %swap3A_95 = tpu.vector_load %arg5[%swap3A_94] {strides = array<i32>} : memref<2064xf32, #tpu.memory_space<vmem>>, vector<16xf32>,
    tpu.vector_store %arg5[%swap3A_94], %broadcast_in_dim3A_4 {strides = array<i32>} : memref<2064xf32, #tpu.memory_space<vmem>>, vector<16xf32>,
    %swap3A_96 = arith.constant 720 : index
    %swap3A_97 = tpu.vector_load %arg5[%swap3A_96] {strides = array<i32>} : memref<2064xf32, #tpu.memory_space<vmem>>, vector<16xf32>,
    tpu.vector_store %arg5[%swap3A_96], %broadcast_in_dim3A_4 {strides = array<i32>} : memref<2064xf32, #tpu.memory_space<vmem>>, vector<16xf32>,
    %swap3A_98 = arith.constant 736 : index
    %swap3A_99 = tpu.vector_load %arg5[%swap3A_98] {strides = array<i32>} : memref<2064xf32, #tpu.memory_space<vmem>>, vector<16xf32>,
    tpu.vector_store %arg5[%swap3A_98], %broadcast_in_dim3A_4 {strides = array<i32>} : memref<2064xf32, #tpu.memory_space<vmem>>, vector<16xf32>,
    %swap3A_100 = arith.constant 752 : index
    %swap3A_101 = tpu.vector_load %arg5[%swap3A_100] {strides = array<i32>} : memref<2064xf32, #tpu.memory_space<vmem>>, vector<16xf32>,
    tpu.vector_store %arg5[%swap3A_100], %broadcast_in_dim3A_4 {strides = array<i32>} : memref<2064xf32, #tpu.memory_space<vmem>>, vector<16xf32>,
    %swap3A_102 = arith.constant 768 : index
    %swap3A_103 = tpu.vector_load %arg5[%swap3A_102] {strides = array<i32>} : memref<2064xf32, #tpu.memory_space<vmem>>, vector<16xf32>,
    tpu.vector_store %arg5[%swap3A_102], %broadcast_in_dim3A_4 {strides = array<i32>} : memref<2064xf32, #tpu.memory_space<vmem>>, vector<16xf32>,
    %swap3A_104 = arith.constant 784 : index
    %swap3A_105 = tpu.vector_load %arg5[%swap3A_104] {strides = array<i32>} : memref<2064xf32, #tpu.memory_space<vmem>>, vector<16xf32>,
    tpu.vector_store %arg5[%swap3A_104], %broadcast_in_dim3A_4 {strides = array<i32>} : memref<2064xf32, #tpu.memory_space<vmem>>, vector<16xf32>,
    %swap3A_106 = arith.constant 800 : index
    %swap3A_107 = tpu.vector_load %arg5[%swap3A_106] {strides = array<i32>} : memref<2064xf32, #tpu.memory_space<vmem>>, vector<16xf32>,
    tpu.vector_store %arg5[%swap3A_106], %broadcast_in_dim3A_4 {strides = array<i32>} : memref<2064xf32, #tpu.memory_space<vmem>>, vector<16xf32>,
    %swap3A_108 = arith.constant 816 : index
    %swap3A_109 = tpu.vector_load %arg5[%swap3A_108] {strides = array<i32>} : memref<2064xf32, #tpu.memory_space<vmem>>, vector<16xf32>,
    tpu.vector_store %arg5[%swap3A_108], %broadcast_in_dim3A_4 {strides = array<i32>} : memref<2064xf32, #tpu.memory_space<vmem>>, vector<16xf32>,
    %swap3A_110 = arith.constant 832 : index
    %swap3A_111 = tpu.vector_load %arg5[%swap3A_110] {strides = array<i32>} : memref<2064xf32, #tpu.memory_space<vmem>>, vector<16xf32>,
    tpu.vector_store %arg5[%swap3A_110], %broadcast_in_dim3A_4 {strides = array<i32>} : memref<2064xf32, #tpu.memory_space<vmem>>, vector<16xf32>,
    %swap3A_112 = arith.constant 848 : index
    %swap3A_113 = tpu.vector_load %arg5[%swap3A_112] {strides = array<i32>} : memref<2064xf32, #tpu.memory_space<vmem>>, vector<16xf32>,
    tpu.vector_store %arg5[%swap3A_112], %broadcast_in_dim3A_4 {strides = array<i32>} : memref<2064xf32, #tpu.memory_space<vmem>>, vector<16xf32>,
    %swap3A_114 = arith.constant 864 : index
    %swap3A_115 = tpu.vector_load %arg5[%swap3A_114] {strides = array<i32>} : memref<2064xf32, #tpu.memory_space<vmem>>, vector<16xf32>,
    tpu.vector_store %arg5[%swap3A_114], %broadcast_in_dim3A_4 {strides = array<i32>} : memref<2064xf32, #tpu.memory_space<vmem>>, vector<16xf32>,
    %swap3A_116 = arith.constant 880 : index
    %swap3A_117 = tpu.vector_load %arg5[%swap3A_116] {strides = array<i32>} : memref<2064xf32, #tpu.memory_space<vmem>>, vector<16xf32>,
    tpu.vector_store %arg5[%swap3A_116], %broadcast_in_dim3A_4 {strides = array<i32>} : memref<2064xf32, #tpu.memory_space<vmem>>, vector<16xf32>,
    %swap3A_118 = arith.constant 896 : index
    %swap3A_119 = tpu.vector_load %arg5[%swap3A_118] {strides = array<i32>} : memref<2064xf32, #tpu.memory_space<vmem>>, vector<16xf32>,
    tpu.vector_store %arg5[%swap3A_118], %broadcast_in_dim3A_4 {strides = array<i32>} : memref<2064xf32, #tpu.memory_space<vmem>>, vector<16xf32>,
    %swap3A_120 = arith.constant 912 : index
    %swap3A_121 = tpu.vector_load %arg5[%swap3A_120] {strides = array<i32>} : memref<2064xf32, #tpu.memory_space<vmem>>, vector<16xf32>,
    tpu.vector_store %arg5[%swap3A_120], %broadcast_in_dim3A_4 {strides = array<i32>} : memref<2064xf32, #tpu.memory_space<vmem>>, vector<16xf32>,
    %swap3A_122 = arith.constant 928 : index
    %swap3A_123 = tpu.vector_load %arg5[%swap3A_122] {strides = array<i32>} : memref<2064xf32, #tpu.memory_space<vmem>>, vector<16xf32>,
    tpu.vector_store %arg5[%swap3A_122], %broadcast_in_dim3A_4 {strides = array<i32>} : memref<2064xf32, #tpu.memory_space<vmem>>, vector<16xf32>,
    %swap3A_124 = arith.constant 944 : index
    %swap3A_125 = tpu.vector_load %arg5[%swap3A_124] {strides = array<i32>} : memref<2064xf32, #tpu.memory_space<vmem>>, vector<16xf32>,
    tpu.vector_store %arg5[%swap3A_124], %broadcast_in_dim3A_4 {strides = array<i32>} : memref<2064xf32, #tpu.memory_space<vmem>>, vector<16xf32>,
    %swap3A_126 = arith.constant 960 : index
    %swap3A_127 = tpu.vector_load %arg5[%swap3A_126] {strides = array<i32>} : memref<2064xf32, #tpu.memory_space<vmem>>, vector<16xf32>,
    tpu.vector_store %arg5[%swap3A_126], %broadcast_in_dim3A_4 {strides = array<i32>} : memref<2064xf32, #tpu.memory_space<vmem>>, vector<16xf32>,
    %swap3A_128 = arith.constant 976 : index
    %swap3A_129 = tpu.vector_load %arg5[%swap3A_128] {strides = array<i32>} : memref<2064xf32, #tpu.memory_space<vmem>>, vector<16xf32>,
    tpu.vector_store %arg5[%swap3A_128], %broadcast_in_dim3A_4 {strides = array<i32>} : memref<2064xf32, #tpu.memory_space<vmem>>, vector<16xf32>,
    %swap3A_130 = arith.constant 992 : index
    %swap3A_131 = tpu.vector_load %arg5[%swap3A_130] {strides = array<i32>} : memref<2064xf32, #tpu.memory_space<vmem>>, vector<16xf32>,
    tpu.vector_store %arg5[%swap3A_130], %broadcast_in_dim3A_4 {strides = array<i32>} : memref<2064xf32, #tpu.memory_space<vmem>>, vector<16xf32>,
    %swap3A_132 = arith.constant 1008 : index
    %swap3A_133 = tpu.vector_load %arg5[%swap3A_132] {strides = array<i32>} : memref<2064xf32, #tpu.memory_space<vmem>>, vector<16xf32>,
    tpu.vector_store %arg5[%swap3A_132], %broadcast_in_dim3A_4 {strides = array<i32>} : memref<2064xf32, #tpu.memory_space<vmem>>, vector<16xf32>,
    %swap3A_134 = arith.constant 1024 : index
    %swap3A_135 = tpu.vector_load %arg5[%swap3A_134] {strides = array<i32>} : memref<2064xf32, #tpu.memory_space<vmem>>, vector<16xf32>,
    tpu.vector_store %arg5[%swap3A_134], %broadcast_in_dim3A_4 {strides = array<i32>} : memref<2064xf32, #tpu.memory_space<vmem>>, vector<16xf32>,
    %swap3A_136 = arith.constant 1040 : index
    %swap3A_137 = tpu.vector_load %arg5[%swap3A_136] {strides = array<i32>} : memref<2064xf32, #tpu.memory_space<vmem>>, vector<16xf32>,
    tpu.vector_store %arg5[%swap3A_136], %broadcast_in_dim3A_4 {strides = array<i32>} : memref<2064xf32, #tpu.memory_space<vmem>>, vector<16xf32>,
    %swap3A_138 = arith.constant 1056 : index
    %swap3A_139 = tpu.vector_load %arg5[%swap3A_138] {strides = array<i32>} : memref<2064xf32, #tpu.memory_space<vmem>>, vector<16xf32>,
    tpu.vector_store %arg5[%swap3A_138], %broadcast_in_dim3A_4 {strides = array<i32>} : memref<2064xf32, #tpu.memory_space<vmem>>, vector<16xf32>,
    %swap3A_140 = arith.constant 1072 : index
    %swap3A_141 = tpu.vector_load %arg5[%swap3A_140] {strides = array<i32>} : memref<2064xf32, #tpu.memory_space<vmem>>, vector<16xf32>,
    tpu.vector_store %arg5[%swap3A_140], %broadcast_in_dim3A_4 {strides = array<i32>} : memref<2064xf32, #tpu.memory_space<vmem>>, vector<16xf32>,
    %swap3A_142 = arith.constant 1088 : index
    %swap3A_143 = tpu.vector_load %arg5[%swap3A_142] {strides = array<i32>} : memref<2064xf32, #tpu.memory_space<vmem>>, vector<16xf32>,
    tpu.vector_store %arg5[%swap3A_142], %broadcast_in_dim3A_4 {strides = array<i32>} : memref<2064xf32, #tpu.memory_space<vmem>>, vector<16xf32>,
    %swap3A_144 = arith.constant 1104 : index
    %swap3A_145 = tpu.vector_load %arg5[%swap3A_144] {strides = array<i32>} : memref<2064xf32, #tpu.memory_space<vmem>>, vector<16xf32>,
    tpu.vector_store %arg5[%swap3A_144], %broadcast_in_dim3A_4 {strides = array<i32>} : memref<2064xf32, #tpu.memory_space<vmem>>, vector<16xf32>,
    %swap3A_146 = arith.constant 1120 : index
    %swap3A_147 = tpu.vector_load %arg5[%swap3A_146] {strides = array<i32>} : memref<2064xf32, #tpu.memory_space<vmem>>, vector<16xf32>,
    tpu.vector_store %arg5[%swap3A_146], %broadcast_in_dim3A_4 {strides = array<i32>} : memref<2064xf32, #tpu.memory_space<vmem>>, vector<16xf32>,
    %swap3A_148 = arith.constant 1136 : index
    %swap3A_149 = tpu.vector_load %arg5[%swap3A_148] {strides = array<i32>} : memref<2064xf32, #tpu.memory_space<vmem>>, vector<16xf32>,
    tpu.vector_store %arg5[%swap3A_148], %broadcast_in_dim3A_4 {strides = array<i32>} : memref<2064xf32, #tpu.memory_space<vmem>>, vector<16xf32>,
    %swap3A_150 = arith.constant 1152 : index
    %swap3A_151 = tpu.vector_load %arg5[%swap3A_150] {strides = array<i32>} : memref<2064xf32, #tpu.memory_space<vmem>>, vector<16xf32>,
    tpu.vector_store %arg5[%swap3A_150], %broadcast_in_dim3A_4 {strides = array<i32>} : memref<2064xf32, #tpu.memory_space<vmem>>, vector<16xf32>,
    %swap3A_152 = arith.constant 1168 : index
    %swap3A_153 = tpu.vector_load %arg5[%swap3A_152] {strides = array<i32>} : memref<2064xf32, #tpu.memory_space<vmem>>, vector<16xf32>,
    tpu.vector_store %arg5[%swap3A_152], %broadcast_in_dim3A_4 {strides = array<i32>} : memref<2064xf32, #tpu.memory_space<vmem>>, vector<16xf32>,
    %swap3A_154 = arith.constant 1184 : index
    %swap3A_155 = tpu.vector_load %arg5[%swap3A_154] {strides = array<i32>} : memref<2064xf32, #tpu.memory_space<vmem>>, vector<16xf32>,
    tpu.vector_store %arg5[%swap3A_154], %broadcast_in_dim3A_4 {strides = array<i32>} : memref<2064xf32, #tpu.memory_space<vmem>>, vector<16xf32>,
    %swap3A_156 = arith.constant 1200 : index
    %swap3A_157 = tpu.vector_load %arg5[%swap3A_156] {strides = array<i32>} : memref<2064xf32, #tpu.memory_space<vmem>>, vector<16xf32>,
    tpu.vector_store %arg5[%swap3A_156], %broadcast_in_dim3A_4 {strides = array<i32>} : memref<2064xf32, #tpu.memory_space<vmem>>, vector<16xf32>,
    %swap3A_158 = arith.constant 1216 : index
    %swap3A_159 = tpu.vector_load %arg5[%swap3A_158] {strides = array<i32>} : memref<2064xf32, #tpu.memory_space<vmem>>, vector<16xf32>,
    tpu.vector_store %arg5[%swap3A_158], %broadcast_in_dim3A_4 {strides = array<i32>} : memref<2064xf32, #tpu.memory_space<vmem>>, vector<16xf32>,
    %swap3A_160 = arith.constant 1232 : index
    %swap3A_161 = tpu.vector_load %arg5[%swap3A_160] {strides = array<i32>} : memref<2064xf32, #tpu.memory_space<vmem>>, vector<16xf32>,
    tpu.vector_store %arg5[%swap3A_160], %broadcast_in_dim3A_4 {strides = array<i32>} : memref<2064xf32, #tpu.memory_space<vmem>>, vector<16xf32>,
    %swap3A_162 = arith.constant 1248 : index
    %swap3A_163 = tpu.vector_load %arg5[%swap3A_162] {strides = array<i32>} : memref<2064xf32, #tpu.memory_space<vmem>>, vector<16xf32>,
    tpu.vector_store %arg5[%swap3A_162], %broadcast_in_dim3A_4 {strides = array<i32>} : memref<2064xf32, #tpu.memory_space<vmem>>, vector<16xf32>,
    %swap3A_164 = arith.constant 1264 : index
    %swap3A_165 = tpu.vector_load %arg5[%swap3A_164] {strides = array<i32>} : memref<2064xf32, #tpu.memory_space<vmem>>, vector<16xf32>,
    tpu.vector_store %arg5[%swap3A_164], %broadcast_in_dim3A_4 {strides = array<i32>} : memref<2064xf32, #tpu.memory_space<vmem>>, vector<16xf32>,
    %swap3A_166 = arith.constant 1280 : index
    %swap3A_167 = tpu.vector_load %arg5[%swap3A_166] {strides = array<i32>} : memref<2064xf32, #tpu.memory_space<vmem>>, vector<16xf32>,
    tpu.vector_store %arg5[%swap3A_166], %broadcast_in_dim3A_4 {strides = array<i32>} : memref<2064xf32, #tpu.memory_space<vmem>>, vector<16xf32>,
    %swap3A_168 = arith.constant 1296 : index
    %swap3A_169 = tpu.vector_load %arg5[%swap3A_168] {strides = array<i32>} : memref<2064xf32, #tpu.memory_space<vmem>>, vector<16xf32>,
    tpu.vector_store %arg5[%swap3A_168], %broadcast_in_dim3A_4 {strides = array<i32>} : memref<2064xf32, #tpu.memory_space<vmem>>, vector<16xf32>,
    %swap3A_170 = arith.constant 1312 : index
    %swap3A_171 = tpu.vector_load %arg5[%swap3A_170] {strides = array<i32>} : memref<2064xf32, #tpu.memory_space<vmem>>, vector<16xf32>,
    tpu.vector_store %arg5[%swap3A_170], %broadcast_in_dim3A_4 {strides = array<i32>} : memref<2064xf32, #tpu.memory_space<vmem>>, vector<16xf32>,
    %swap3A_172 = arith.constant 1328 : index
    %swap3A_173 = tpu.vector_load %arg5[%swap3A_172] {strides = array<i32>} : memref<2064xf32, #tpu.memory_space<vmem>>, vector<16xf32>,
    tpu.vector_store %arg5[%swap3A_172], %broadcast_in_dim3A_4 {strides = array<i32>} : memref<2064xf32, #tpu.memory_space<vmem>>, vector<16xf32>,
    %swap3A_174 = arith.constant 1344 : index
    %swap3A_175 = tpu.vector_load %arg5[%swap3A_174] {strides = array<i32>} : memref<2064xf32, #tpu.memory_space<vmem>>, vector<16xf32>,
    tpu.vector_store %arg5[%swap3A_174], %broadcast_in_dim3A_4 {strides = array<i32>} : memref<2064xf32, #tpu.memory_space<vmem>>, vector<16xf32>,
    %swap3A_176 = arith.constant 1360 : index
    %swap3A_177 = tpu.vector_load %arg5[%swap3A_176] {strides = array<i32>} : memref<2064xf32, #tpu.memory_space<vmem>>, vector<16xf32>,
    tpu.vector_store %arg5[%swap3A_176], %broadcast_in_dim3A_4 {strides = array<i32>} : memref<2064xf32, #tpu.memory_space<vmem>>, vector<16xf32>,
    %swap3A_178 = arith.constant 1376 : index
    %swap3A_179 = tpu.vector_load %arg5[%swap3A_178] {strides = array<i32>} : memref<2064xf32, #tpu.memory_space<vmem>>, vector<16xf32>,
    tpu.vector_store %arg5[%swap3A_178], %broadcast_in_dim3A_4 {strides = array<i32>} : memref<2064xf32, #tpu.memory_space<vmem>>, vector<16xf32>,
    %swap3A_180 = arith.constant 1392 : index
    %swap3A_181 = tpu.vector_load %arg5[%swap3A_180] {strides = array<i32>} : memref<2064xf32, #tpu.memory_space<vmem>>, vector<16xf32>,
    tpu.vector_store %arg5[%swap3A_180], %broadcast_in_dim3A_4 {strides = array<i32>} : memref<2064xf32, #tpu.memory_space<vmem>>, vector<16xf32>,
    %swap3A_182 = arith.constant 1408 : index
    %swap3A_183 = tpu.vector_load %arg5[%swap3A_182] {strides = array<i32>} : memref<2064xf32, #tpu.memory_space<vmem>>, vector<16xf32>,
    tpu.vector_store %arg5[%swap3A_182], %broadcast_in_dim3A_4 {strides = array<i32>} : memref<2064xf32, #tpu.memory_space<vmem>>, vector<16xf32>,
    %swap3A_184 = arith.constant 1424 : index
    %swap3A_185 = tpu.vector_load %arg5[%swap3A_184] {strides = array<i32>} : memref<2064xf32, #tpu.memory_space<vmem>>, vector<16xf32>,
    tpu.vector_store %arg5[%swap3A_184], %broadcast_in_dim3A_4 {strides = array<i32>} : memref<2064xf32, #tpu.memory_space<vmem>>, vector<16xf32>,
    %swap3A_186 = arith.constant 1440 : index
    %swap3A_187 = tpu.vector_load %arg5[%swap3A_186] {strides = array<i32>} : memref<2064xf32, #tpu.memory_space<vmem>>, vector<16xf32>,
    tpu.vector_store %arg5[%swap3A_186], %broadcast_in_dim3A_4 {strides = array<i32>} : memref<2064xf32, #tpu.memory_space<vmem>>, vector<16xf32>,
    %swap3A_188 = arith.constant 1456 : index
    %swap3A_189 = tpu.vector_load %arg5[%swap3A_188] {strides = array<i32>} : memref<2064xf32, #tpu.memory_space<vmem>>, vector<16xf32>,
    tpu.vector_store %arg5[%swap3A_188], %broadcast_in_dim3A_4 {strides = array<i32>} : memref<2064xf32, #tpu.memory_space<vmem>>, vector<16xf32>,
    %swap3A_190 = arith.constant 1472 : index
    %swap3A_191 = tpu.vector_load %arg5[%swap3A_190] {strides = array<i32>} : memref<2064xf32, #tpu.memory_space<vmem>>, vector<16xf32>,
    tpu.vector_store %arg5[%swap3A_190], %broadcast_in_dim3A_4 {strides = array<i32>} : memref<2064xf32, #tpu.memory_space<vmem>>, vector<16xf32>,
    %swap3A_192 = arith.constant 1488 : index
    %swap3A_193 = tpu.vector_load %arg5[%swap3A_192] {strides = array<i32>} : memref<2064xf32, #tpu.memory_space<vmem>>, vector<16xf32>,
    tpu.vector_store %arg5[%swap3A_192], %broadcast_in_dim3A_4 {strides = array<i32>} : memref<2064xf32, #tpu.memory_space<vmem>>, vector<16xf32>,
    %swap3A_194 = arith.constant 1504 : index
    %swap3A_195 = tpu.vector_load %arg5[%swap3A_194] {strides = array<i32>} : memref<2064xf32, #tpu.memory_space<vmem>>, vector<16xf32>,
    tpu.vector_store %arg5[%swap3A_194], %broadcast_in_dim3A_4 {strides = array<i32>} : memref<2064xf32, #tpu.memory_space<vmem>>, vector<16xf32>,
    %swap3A_196 = arith.constant 1520 : index
    %swap3A_197 = tpu.vector_load %arg5[%swap3A_196] {strides = array<i32>} : memref<2064xf32, #tpu.memory_space<vmem>>, vector<16xf32>,
    tpu.vector_store %arg5[%swap3A_196], %broadcast_in_dim3A_4 {strides = array<i32>} : memref<2064xf32, #tpu.memory_space<vmem>>, vector<16xf32>,
    %swap3A_198 = arith.constant 1536 : index
    %swap3A_199 = tpu.vector_load %arg5[%swap3A_198] {strides = array<i32>} : memref<2064xf32, #tpu.memory_space<vmem>>, vector<16xf32>,
    tpu.vector_store %arg5[%swap3A_198], %broadcast_in_dim3A_4 {strides = array<i32>} : memref<2064xf32, #tpu.memory_space<vmem>>, vector<16xf32>,
    %swap3A_200 = arith.constant 1552 : index
    %swap3A_201 = tpu.vector_load %arg5[%swap3A_200] {strides = array<i32>} : memref<2064xf32, #tpu.memory_space<vmem>>, vector<16xf32>,
    tpu.vector_store %arg5[%swap3A_200], %broadcast_in_dim3A_4 {strides = array<i32>} : memref<2064xf32, #tpu.memory_space<vmem>>, vector<16xf32>,
    %swap3A_202 = arith.constant 1568 : index
    %swap3A_203 = tpu.vector_load %arg5[%swap3A_202] {strides = array<i32>} : memref<2064xf32, #tpu.memory_space<vmem>>, vector<16xf32>,
    tpu.vector_store %arg5[%swap3A_202], %broadcast_in_dim3A_4 {strides = array<i32>} : memref<2064xf32, #tpu.memory_space<vmem>>, vector<16xf32>,
    %swap3A_204 = arith.constant 1584 : index
    %swap3A_205 = tpu.vector_load %arg5[%swap3A_204] {strides = array<i32>} : memref<2064xf32, #tpu.memory_space<vmem>>, vector<16xf32>,
    tpu.vector_store %arg5[%swap3A_204], %broadcast_in_dim3A_4 {strides = array<i32>} : memref<2064xf32, #tpu.memory_space<vmem>>, vector<16xf32>,
    %swap3A_206 = arith.constant 1600 : index
    %swap3A_207 = tpu.vector_load %arg5[%swap3A_206] {strides = array<i32>} : memref<2064xf32, #tpu.memory_space<vmem>>, vector<16xf32>,
    tpu.vector_store %arg5[%swap3A_206], %broadcast_in_dim3A_4 {strides = array<i32>} : memref<2064xf32, #tpu.memory_space<vmem>>, vector<16xf32>,
    %swap3A_208 = arith.constant 1616 : index
    %swap3A_209 = tpu.vector_load %arg5[%swap3A_208] {strides = array<i32>} : memref<2064xf32, #tpu.memory_space<vmem>>, vector<16xf32>,
    tpu.vector_store %arg5[%swap3A_208], %broadcast_in_dim3A_4 {strides = array<i32>} : memref<2064xf32, #tpu.memory_space<vmem>>, vector<16xf32>,
    %swap3A_210 = arith.constant 1632 : index
    %swap3A_211 = tpu.vector_load %arg5[%swap3A_210] {strides = array<i32>} : memref<2064xf32, #tpu.memory_space<vmem>>, vector<16xf32>,
    tpu.vector_store %arg5[%swap3A_210], %broadcast_in_dim3A_4 {strides = array<i32>} : memref<2064xf32, #tpu.memory_space<vmem>>, vector<16xf32>,
    %swap3A_212 = arith.constant 1648 : index
    %swap3A_213 = tpu.vector_load %arg5[%swap3A_212] {strides = array<i32>} : memref<2064xf32, #tpu.memory_space<vmem>>, vector<16xf32>,
    tpu.vector_store %arg5[%swap3A_212], %broadcast_in_dim3A_4 {strides = array<i32>} : memref<2064xf32, #tpu.memory_space<vmem>>, vector<16xf32>,
    %swap3A_214 = arith.constant 1664 : index
    %swap3A_215 = tpu.vector_load %arg5[%swap3A_214] {strides = array<i32>} : memref<2064xf32, #tpu.memory_space<vmem>>, vector<16xf32>,
    tpu.vector_store %arg5[%swap3A_214], %broadcast_in_dim3A_4 {strides = array<i32>} : memref<2064xf32, #tpu.memory_space<vmem>>, vector<16xf32>,
    %swap3A_216 = arith.constant 1680 : index
    %swap3A_217 = tpu.vector_load %arg5[%swap3A_216] {strides = array<i32>} : memref<2064xf32, #tpu.memory_space<vmem>>, vector<16xf32>,
    tpu.vector_store %arg5[%swap3A_216], %broadcast_in_dim3A_4 {strides = array<i32>} : memref<2064xf32, #tpu.memory_space<vmem>>, vector<16xf32>,
    %swap3A_218 = arith.constant 1696 : index
    %swap3A_219 = tpu.vector_load %arg5[%swap3A_218] {strides = array<i32>} : memref<2064xf32, #tpu.memory_space<vmem>>, vector<16xf32>,
    tpu.vector_store %arg5[%swap3A_218], %broadcast_in_dim3A_4 {strides = array<i32>} : memref<2064xf32, #tpu.memory_space<vmem>>, vector<16xf32>,
    %swap3A_220 = arith.constant 1712 : index
    %swap3A_221 = tpu.vector_load %arg5[%swap3A_220] {strides = array<i32>} : memref<2064xf32, #tpu.memory_space<vmem>>, vector<16xf32>,
    tpu.vector_store %arg5[%swap3A_220], %broadcast_in_dim3A_4 {strides = array<i32>} : memref<2064xf32, #tpu.memory_space<vmem>>, vector<16xf32>,
    %swap3A_222 = arith.constant 1728 : index
    %swap3A_223 = tpu.vector_load %arg5[%swap3A_222] {strides = array<i32>} : memref<2064xf32, #tpu.memory_space<vmem>>, vector<16xf32>,
    tpu.vector_store %arg5[%swap3A_222], %broadcast_in_dim3A_4 {strides = array<i32>} : memref<2064xf32, #tpu.memory_space<vmem>>, vector<16xf32>,
    %swap3A_224 = arith.constant 1744 : index
    %swap3A_225 = tpu.vector_load %arg5[%swap3A_224] {strides = array<i32>} : memref<2064xf32, #tpu.memory_space<vmem>>, vector<16xf32>,
    tpu.vector_store %arg5[%swap3A_224], %broadcast_in_dim3A_4 {strides = array<i32>} : memref<2064xf32, #tpu.memory_space<vmem>>, vector<16xf32>,
    %swap3A_226 = arith.constant 1760 : index
    %swap3A_227 = tpu.vector_load %arg5[%swap3A_226] {strides = array<i32>} : memref<2064xf32, #tpu.memory_space<vmem>>, vector<16xf32>,
    tpu.vector_store %arg5[%swap3A_226], %broadcast_in_dim3A_4 {strides = array<i32>} : memref<2064xf32, #tpu.memory_space<vmem>>, vector<16xf32>,
    %swap3A_228 = arith.constant 1776 : index
    %swap3A_229 = tpu.vector_load %arg5[%swap3A_228] {strides = array<i32>} : memref<2064xf32, #tpu.memory_space<vmem>>, vector<16xf32>,
    tpu.vector_store %arg5[%swap3A_228], %broadcast_in_dim3A_4 {strides = array<i32>} : memref<2064xf32, #tpu.memory_space<vmem>>, vector<16xf32>,
    %swap3A_230 = arith.constant 1792 : index
    %swap3A_231 = tpu.vector_load %arg5[%swap3A_230] {strides = array<i32>} : memref<2064xf32, #tpu.memory_space<vmem>>, vector<16xf32>,
    tpu.vector_store %arg5[%swap3A_230], %broadcast_in_dim3A_4 {strides = array<i32>} : memref<2064xf32, #tpu.memory_space<vmem>>, vector<16xf32>,
    %swap3A_232 = arith.constant 1808 : index
    %swap3A_233 = tpu.vector_load %arg5[%swap3A_232] {strides = array<i32>} : memref<2064xf32, #tpu.memory_space<vmem>>, vector<16xf32>,
    tpu.vector_store %arg5[%swap3A_232], %broadcast_in_dim3A_4 {strides = array<i32>} : memref<2064xf32, #tpu.memory_space<vmem>>, vector<16xf32>,
    %swap3A_234 = arith.constant 1824 : index
    %swap3A_235 = tpu.vector_load %arg5[%swap3A_234] {strides = array<i32>} : memref<2064xf32, #tpu.memory_space<vmem>>, vector<16xf32>,
    tpu.vector_store %arg5[%swap3A_234], %broadcast_in_dim3A_4 {strides = array<i32>} : memref<2064xf32, #tpu.memory_space<vmem>>, vector<16xf32>,
    %swap3A_236 = arith.constant 1840 : index
    %swap3A_237 = tpu.vector_load %arg5[%swap3A_236] {strides = array<i32>} : memref<2064xf32, #tpu.memory_space<vmem>>, vector<16xf32>,
    tpu.vector_store %arg5[%swap3A_236], %broadcast_in_dim3A_4 {strides = array<i32>} : memref<2064xf32, #tpu.memory_space<vmem>>, vector<16xf32>,
    %swap3A_238 = arith.constant 1856 : index
    %swap3A_239 = tpu.vector_load %arg5[%swap3A_238] {strides = array<i32>} : memref<2064xf32, #tpu.memory_space<vmem>>, vector<16xf32>,
    tpu.vector_store %arg5[%swap3A_238], %broadcast_in_dim3A_4 {strides = array<i32>} : memref<2064xf32, #tpu.memory_space<vmem>>, vector<16xf32>,
    %swap3A_240 = arith.constant 1872 : index
    %swap3A_241 = tpu.vector_load %arg5[%swap3A_240] {strides = array<i32>} : memref<2064xf32, #tpu.memory_space<vmem>>, vector<16xf32>,
    tpu.vector_store %arg5[%swap3A_240], %broadcast_in_dim3A_4 {strides = array<i32>} : memref<2064xf32, #tpu.memory_space<vmem>>, vector<16xf32>,
    %swap3A_242 = arith.constant 1888 : index
    %swap3A_243 = tpu.vector_load %arg5[%swap3A_242] {strides = array<i32>} : memref<2064xf32, #tpu.memory_space<vmem>>, vector<16xf32>,
    tpu.vector_store %arg5[%swap3A_242], %broadcast_in_dim3A_4 {strides = array<i32>} : memref<2064xf32, #tpu.memory_space<vmem>>, vector<16xf32>,
    %swap3A_244 = arith.constant 1904 : index
    %swap3A_245 = tpu.vector_load %arg5[%swap3A_244] {strides = array<i32>} : memref<2064xf32, #tpu.memory_space<vmem>>, vector<16xf32>,
    tpu.vector_store %arg5[%swap3A_244], %broadcast_in_dim3A_4 {strides = array<i32>} : memref<2064xf32, #tpu.memory_space<vmem>>, vector<16xf32>,
    %swap3A_246 = arith.constant 1920 : index
    %swap3A_247 = tpu.vector_load %arg5[%swap3A_246] {strides = array<i32>} : memref<2064xf32, #tpu.memory_space<vmem>>, vector<16xf32>,
    tpu.vector_store %arg5[%swap3A_246], %broadcast_in_dim3A_4 {strides = array<i32>} : memref<2064xf32, #tpu.memory_space<vmem>>, vector<16xf32>,
    %swap3A_248 = arith.constant 1936 : index
    %swap3A_249 = tpu.vector_load %arg5[%swap3A_248] {strides = array<i32>} : memref<2064xf32, #tpu.memory_space<vmem>>, vector<16xf32>,
    tpu.vector_store %arg5[%swap3A_248], %broadcast_in_dim3A_4 {strides = array<i32>} : memref<2064xf32, #tpu.memory_space<vmem>>, vector<16xf32>,
    %swap3A_250 = arith.constant 1952 : index
    %swap3A_251 = tpu.vector_load %arg5[%swap3A_250] {strides = array<i32>} : memref<2064xf32, #tpu.memory_space<vmem>>, vector<16xf32>,
    tpu.vector_store %arg5[%swap3A_250], %broadcast_in_dim3A_4 {strides = array<i32>} : memref<2064xf32, #tpu.memory_space<vmem>>, vector<16xf32>,
    %swap3A_252 = arith.constant 1968 : index
    %swap3A_253 = tpu.vector_load %arg5[%swap3A_252] {strides = array<i32>} : memref<2064xf32, #tpu.memory_space<vmem>>, vector<16xf32>,
    tpu.vector_store %arg5[%swap3A_252], %broadcast_in_dim3A_4 {strides = array<i32>} : memref<2064xf32, #tpu.memory_space<vmem>>, vector<16xf32>,
    %swap3A_254 = arith.constant 1984 : index
    %swap3A_255 = tpu.vector_load %arg5[%swap3A_254] {strides = array<i32>} : memref<2064xf32, #tpu.memory_space<vmem>>, vector<16xf32>,
    tpu.vector_store %arg5[%swap3A_254], %broadcast_in_dim3A_4 {strides = array<i32>} : memref<2064xf32, #tpu.memory_space<vmem>>, vector<16xf32>,
    %swap3A_256 = arith.constant 2000 : index
    %swap3A_257 = tpu.vector_load %arg5[%swap3A_256] {strides = array<i32>} : memref<2064xf32, #tpu.memory_space<vmem>>, vector<16xf32>,
    tpu.vector_store %arg5[%swap3A_256], %broadcast_in_dim3A_4 {strides = array<i32>} : memref<2064xf32, #tpu.memory_space<vmem>>, vector<16xf32>,
    %swap3A_258 = arith.constant 2016 : index
    %swap3A_259 = tpu.vector_load %arg5[%swap3A_258] {strides = array<i32>} : memref<2064xf32, #tpu.memory_space<vmem>>, vector<16xf32>,
    tpu.vector_store %arg5[%swap3A_258], %broadcast_in_dim3A_4 {strides = array<i32>} : memref<2064xf32, #tpu.memory_space<vmem>>, vector<16xf32>,
    %swap3A_260 = arith.constant 2032 : index
    %swap3A_261 = tpu.vector_load %arg5[%swap3A_260] {strides = array<i32>} : memref<2064xf32, #tpu.memory_space<vmem>>, vector<16xf32>,
    tpu.vector_store %arg5[%swap3A_260], %broadcast_in_dim3A_4 {strides = array<i32>} : memref<2064xf32, #tpu.memory_space<vmem>>, vector<16xf32>,
    %dma_wait3A = tpu.memref_slice %arg2[%mul3A_2] : memref<196608xf32, #tpu.memory_space<hbm>> -> memref<6144xf32, #tpu.memory_space<hbm>>
    %dma_wait3A_262 = tpu.memref_slice %arg2[%mul3A_2] : memref<196608xf32, #tpu.memory_space<hbm>> -> memref<6144xf32, #tpu.memory_space<hbm>>
    tpu.wait_dma2 semaphore(%arg9 : memref<!tpu.dma_semaphore, #tpu.memory_space<semaphore_mem>>) src(%dma_wait3A_262 : memref<6144xf32, #tpu.memory_space<hbm>>) dst(%arg4 : memref<6144xf32, #tpu.memory_space<vmem>>)
    %mul3A_263 = arith.constant 3 : i32
    %mul3A_264 = vector.broadcast %mul3A_263 : i32 to vector<16xi32>
    %mul3A_265 = arith.muli %iota3A, %mul3A_264 : vector<16xi32>
    %mul3A_266 = arith.constant 128 : i32
    %mul3A_267 = vector.broadcast %mul3A_266 : i32 to vector<16xi32>
    %mul3A_268 = arith.muli %iota3A, %mul3A_267 : vector<16xi32>
    %scan3A = arith.constant 0 : i32
    %scan3A_269 = arith.constant 0 : i32
    %scan3A_270 = arith.constant 32 : i32
    %scan3A_271 = arith.addi %scan3A_269, %scan3A_270 : i32
    %scan3A_272 = arith.constant 1 : i32
    scf.for %scan3A_683 = %scan3A_269 to %scan3A_271 step %scan3A_272  : i32 {
      %mul3A_684 = arith.constant 192 : i32
      %mul3A_685 = arith.muli %scan3A_683, %mul3A_684 : i32
      %add3A_686 = vector.broadcast %mul3A_685 : i32 to vector<16xi32>
      %add3A_687 = arith.addi %mul3A_265, %add3A_686 : vector<16xi32>
      %add3A_688 = arith.constant 0 : i32
      %add3A_689 = vector.broadcast %add3A_688 : i32 to vector<16xi32>
      %add3A_690 = arith.addi %add3A_687, %add3A_689 : vector<16xi32>
      %gather3A = tpu.vector_load_idx %arg4[%add3A_690] : memref<6144xf32, #tpu.memory_space<vmem>>[vector<16xi32>], vector<16xf32>,
      %add3A_691 = arith.constant 1 : i32
      %add3A_692 = vector.broadcast %add3A_691 : i32 to vector<16xi32>
      %add3A_693 = arith.addi %add3A_690, %add3A_692 : vector<16xi32>
      %gather3A_694 = tpu.vector_load_idx %arg4[%add3A_693] : memref<6144xf32, #tpu.memory_space<vmem>>[vector<16xi32>], vector<16xf32>,
      %add3A_695 = arith.constant 2 : i32
      %add3A_696 = vector.broadcast %add3A_695 : i32 to vector<16xi32>
      %add3A_697 = arith.addi %add3A_690, %add3A_696 : vector<16xi32>
      %gather3A_698 = tpu.vector_load_idx %arg4[%add3A_697] : memref<6144xf32, #tpu.memory_space<vmem>>[vector<16xi32>], vector<16xf32>,
      %mul3A_699 = arith.mulf %gather3A, %gather3A : vector<16xf32>
      %mul3A_700 = arith.mulf %gather3A_694, %gather3A_694 : vector<16xf32>
      %mul3A_701 = arith.mulf %gather3A_698, %gather3A_698 : vector<16xf32>
      %add3A_702 = arith.addf %mul3A_699, %mul3A_700 : vector<16xf32>
      %add3A_703 = arith.addf %add3A_702, %mul3A_701 : vector<16xf32>
      %ge3A = arith.constant 1.000000e+00 : f32
      %ge3A_704 = vector.broadcast %ge3A : f32 to vector<16xf32>
      %ge3A_705 = arith.cmpf oge, %add3A_703, %ge3A_704 : vector<16xf32>
      %jit3A = arith.constant 1 : i32
      %jit3A_706 = arith.constant 0 : i32
      %broadcast_in_dim3A_707 = vector.broadcast %jit3A : i32 to vector<16xi32>
      %broadcast_in_dim3A_708 = vector.broadcast %jit3A_706 : i32 to vector<16xi32>
      %select_n3A = arith.select %ge3A_705, %broadcast_in_dim3A_707, %broadcast_in_dim3A_708 : vector<16xi1>, vector<16xi32>
      %ge3A_709 = arith.constant 4.000000e+00 : f32
      %ge3A_710 = vector.broadcast %ge3A_709 : f32 to vector<16xf32>
      %ge3A_711 = arith.cmpf oge, %add3A_703, %ge3A_710 : vector<16xf32>
      %jit3A_712 = arith.constant 1 : i32
      %jit3A_713 = arith.constant 0 : i32
      %broadcast_in_dim3A_714 = vector.broadcast %jit3A_712 : i32 to vector<16xi32>
      %broadcast_in_dim3A_715 = vector.broadcast %jit3A_713 : i32 to vector<16xi32>
      %select_n3A_716 = arith.select %ge3A_711, %broadcast_in_dim3A_714, %broadcast_in_dim3A_715 : vector<16xi1>, vector<16xi32>
      %add3A_717 = arith.addi %select_n3A, %select_n3A_716 : vector<16xi32>
      %ge3A_718 = arith.constant 9.000000e+00 : f32
      %ge3A_719 = vector.broadcast %ge3A_718 : f32 to vector<16xf32>
      %ge3A_720 = arith.cmpf oge, %add3A_703, %ge3A_719 : vector<16xf32>
      %jit3A_721 = arith.constant 1 : i32
      %jit3A_722 = arith.constant 0 : i32
      %broadcast_in_dim3A_723 = vector.broadcast %jit3A_721 : i32 to vector<16xi32>
      %broadcast_in_dim3A_724 = vector.broadcast %jit3A_722 : i32 to vector<16xi32>
      %select_n3A_725 = arith.select %ge3A_720, %broadcast_in_dim3A_723, %broadcast_in_dim3A_724 : vector<16xi1>, vector<16xi32>
      %add3A_726 = arith.addi %add3A_717, %select_n3A_725 : vector<16xi32>
      %gt3A = arith.constant 0.000000e+00 : f32
      %gt3A_727 = vector.broadcast %gt3A : f32 to vector<16xf32>
      %gt3A_728 = arith.cmpf ogt, %gather3A_694, %gt3A_727 : vector<16xf32>
      %lt3A_729 = arith.constant 0.000000e+00 : f32
      %lt3A_730 = vector.broadcast %lt3A_729 : f32 to vector<16xf32>
      %lt3A_731 = arith.cmpf olt, %gather3A_694, %lt3A_730 : vector<16xf32>
      %gt3A_732 = arith.constant 0.000000e+00 : f32
      %gt3A_733 = vector.broadcast %gt3A_732 : f32 to vector<16xf32>
      %gt3A_734 = arith.cmpf ogt, %gather3A, %gt3A_733 : vector<16xf32>
      %lt3A_735 = arith.constant 0.000000e+00 : f32
      %lt3A_736 = vector.broadcast %lt3A_735 : f32 to vector<16xf32>
      %lt3A_737 = arith.cmpf olt, %gather3A, %lt3A_736 : vector<16xf32>
      %and3A = arith.andi %gt3A_728, %gt3A_734 : vector<16xi1>
      %ge3A_738 = arith.cmpf oge, %gather3A_694, %gather3A : vector<16xf32>
      %jit3A_739 = arith.constant 1 : i32
      %jit3A_740 = arith.constant 0 : i32
      %broadcast_in_dim3A_741 = vector.broadcast %jit3A_739 : i32 to vector<16xi32>
      %broadcast_in_dim3A_742 = vector.broadcast %jit3A_740 : i32 to vector<16xi32>
      %select_n3A_743 = arith.select %ge3A_738, %broadcast_in_dim3A_741, %broadcast_in_dim3A_742 : vector<16xi1>, vector<16xi32>
      %neg3A = arith.constant 0.000000e+00 : f32
      %neg3A_744 = vector.broadcast %neg3A : f32 to vector<16xf32>
      %neg3A_745 = arith.subf %neg3A_744, %gather3A : vector<16xf32>
      %gt3A_746 = arith.cmpf ogt, %gather3A_694, %neg3A_745 : vector<16xf32>
      %jit3A_747 = arith.constant 2 : i32
      %jit3A_748 = arith.constant 3 : i32
      %broadcast_in_dim3A_749 = vector.broadcast %jit3A_747 : i32 to vector<16xi32>
      %broadcast_in_dim3A_750 = vector.broadcast %jit3A_748 : i32 to vector<16xi32>
      %select_n3A_751 = arith.select %gt3A_746, %broadcast_in_dim3A_749, %broadcast_in_dim3A_750 : vector<16xi1>, vector<16xi32>
      %and3A_752 = arith.andi %lt3A_731, %lt3A_737 : vector<16xi1>
      %gt3A_753 = arith.cmpf ogt, %gather3A_694, %gather3A : vector<16xf32>
      %jit3A_754 = arith.constant 4 : i32
      %jit3A_755 = arith.constant 5 : i32
      %broadcast_in_dim3A_756 = vector.broadcast %jit3A_754 : i32 to vector<16xi32>
      %broadcast_in_dim3A_757 = vector.broadcast %jit3A_755 : i32 to vector<16xi32>
      %select_n3A_758 = arith.select %gt3A_753, %broadcast_in_dim3A_756, %broadcast_in_dim3A_757 : vector<16xi1>, vector<16xi32>
      %neg3A_759 = arith.constant 0.000000e+00 : f32
      %neg3A_760 = vector.broadcast %neg3A_759 : f32 to vector<16xf32>
      %neg3A_761 = arith.subf %neg3A_760, %gather3A_694 : vector<16xf32>
      %gt3A_762 = arith.cmpf ogt, %neg3A_761, %gather3A : vector<16xf32>
      %jit3A_763 = arith.constant 6 : i32
      %jit3A_764 = arith.constant 7 : i32
      %broadcast_in_dim3A_765 = vector.broadcast %jit3A_763 : i32 to vector<16xi32>
      %broadcast_in_dim3A_766 = vector.broadcast %jit3A_764 : i32 to vector<16xi32>
      %select_n3A_767 = arith.select %gt3A_762, %broadcast_in_dim3A_765, %broadcast_in_dim3A_766 : vector<16xi1>, vector<16xi32>
      %jit3A_768 = arith.constant 4 : i32
      %jit3A_769 = arith.constant 0 : i32
      %broadcast_in_dim3A_770 = vector.broadcast %jit3A_768 : i32 to vector<16xi32>
      %broadcast_in_dim3A_771 = vector.broadcast %jit3A_769 : i32 to vector<16xi32>
      %select_n3A_772 = arith.select %lt3A_737, %broadcast_in_dim3A_770, %broadcast_in_dim3A_771 : vector<16xi1>, vector<16xi32>
      %select_n3A_773 = arith.select %lt3A_731, %select_n3A_767, %select_n3A_772 : vector<16xi1>, vector<16xi32>
      %select_n3A_774 = arith.select %and3A_752, %select_n3A_758, %select_n3A_773 : vector<16xi1>, vector<16xi32>
      %select_n3A_775 = arith.select %gt3A_728, %select_n3A_751, %select_n3A_774 : vector<16xi1>, vector<16xi32>
      %select_n3A_776 = arith.select %and3A, %select_n3A_743, %select_n3A_775 : vector<16xi1>, vector<16xi32>
      %mul3A_777 = arith.constant 2.000000e+00 : f32
      %mul3A_778 = vector.broadcast %mul3A_777 : f32 to vector<16xf32>
      %mul3A_779 = arith.mulf %mul3A_778, %mul3A_701 : vector<16xf32>
      %le3A = arith.constant 0.000000e+00 : f32
      %le3A_780 = vector.broadcast %le3A : f32 to vector<16xf32>
      %le3A_781 = arith.cmpf ole, %gather3A_698, %le3A_780 : vector<16xf32>
      %lt3A_782 = arith.constant 0.000000e+00 : f32
      %lt3A_783 = vector.broadcast %lt3A_782 : f32 to vector<16xf32>
      %lt3A_784 = arith.cmpf olt, %gather3A_698, %lt3A_783 : vector<16xf32>
      %le3A_785 = arith.cmpf ole, %mul3A_779, %add3A_703 : vector<16xf32>
      %or3A = arith.ori %le3A_781, %le3A_785 : vector<16xi1>
      %jit3A_786 = arith.constant 1 : i32
      %jit3A_787 = arith.constant 0 : i32
      %broadcast_in_dim3A_788 = vector.broadcast %jit3A_786 : i32 to vector<16xi32>
      %broadcast_in_dim3A_789 = vector.broadcast %jit3A_787 : i32 to vector<16xi32>
      %select_n3A_790 = arith.select %or3A, %broadcast_in_dim3A_788, %broadcast_in_dim3A_789 : vector<16xi1>, vector<16xi32>
      %jit3A_791 = arith.constant 1 : i32
      %jit3A_792 = arith.constant 0 : i32
      %broadcast_in_dim3A_793 = vector.broadcast %jit3A_791 : i32 to vector<16xi32>
      %broadcast_in_dim3A_794 = vector.broadcast %jit3A_792 : i32 to vector<16xi32>
      %select_n3A_795 = arith.select %le3A_781, %broadcast_in_dim3A_793, %broadcast_in_dim3A_794 : vector<16xi1>, vector<16xi32>
      %add3A_796 = arith.addi %select_n3A_790, %select_n3A_795 : vector<16xi32>
      %ge3A_797 = arith.cmpf oge, %mul3A_779, %add3A_703 : vector<16xf32>
      %and3A_798 = arith.andi %lt3A_784, %ge3A_797 : vector<16xi1>
      %jit3A_799 = arith.constant 1 : i32
      %jit3A_800 = arith.constant 0 : i32
      %broadcast_in_dim3A_801 = vector.broadcast %jit3A_799 : i32 to vector<16xi32>
      %broadcast_in_dim3A_802 = vector.broadcast %jit3A_800 : i32 to vector<16xi32>
      %select_n3A_803 = arith.select %and3A_798, %broadcast_in_dim3A_801, %broadcast_in_dim3A_802 : vector<16xi1>, vector<16xi32>
      %add3A_804 = arith.addi %add3A_796, %select_n3A_803 : vector<16xi32>
      %lt3A_805 = arith.constant 1.600000e+01 : f32
      %lt3A_806 = vector.broadcast %lt3A_805 : f32 to vector<16xf32>
      %lt3A_807 = arith.cmpf olt, %add3A_703, %lt3A_806 : vector<16xf32>
      %ge3A_808 = arith.cmpf oge, %mul3A_701, %add3A_703 : vector<16xf32>
      %and3A_809 = arith.andi %lt3A_784, %ge3A_808 : vector<16xi1>
      %not3A = arith.constant dense<true> : vector<16xi1>
      %not3A_810 = arith.xori %and3A_809, %not3A : vector<16xi1>
      %and3A_811 = arith.andi %lt3A_807, %not3A_810 : vector<16xi1>
      %mul3A_812 = arith.constant 32 : i32
      %mul3A_813 = vector.broadcast %mul3A_812 : i32 to vector<16xi32>
      %mul3A_814 = arith.muli %add3A_726, %mul3A_813 : vector<16xi32>
      %mul3A_815 = arith.constant 4 : i32
      %mul3A_816 = vector.broadcast %mul3A_815 : i32 to vector<16xi32>
      %mul3A_817 = arith.muli %select_n3A_776, %mul3A_816 : vector<16xi32>
      %add3A_818 = arith.addi %mul3A_814, %mul3A_817 : vector<16xi32>
      %add3A_819 = arith.addi %add3A_818, %add3A_804 : vector<16xi32>
      %add3A_820 = arith.addi %mul3A_268, %add3A_819 : vector<16xi32>
      %add3A_821 = arith.constant 2048 : i32
      %add3A_822 = vector.broadcast %add3A_821 : i32 to vector<16xi32>
      %add3A_823 = arith.addi %add3A_822, %iota3A : vector<16xi32>
      %select_n3A_824 = arith.select %and3A_811, %add3A_820, %add3A_823 : vector<16xi1>, vector<16xi32>
      tpu.vector_store_idx %arg5[%select_n3A_824], %broadcast_in_dim3A_6 {add = true} : memref<2064xf32, #tpu.memory_space<vmem>>[vector<16xi32>], vector<16xf32>,
      %add3A_825 = arith.constant 48 : i32
      %add3A_826 = vector.broadcast %add3A_825 : i32 to vector<16xi32>
      %add3A_827 = arith.addi %add3A_687, %add3A_826 : vector<16xi32>
      %gather3A_828 = tpu.vector_load_idx %arg4[%add3A_827] : memref<6144xf32, #tpu.memory_space<vmem>>[vector<16xi32>], vector<16xf32>,
      %add3A_829 = arith.constant 1 : i32
      %add3A_830 = vector.broadcast %add3A_829 : i32 to vector<16xi32>
      %add3A_831 = arith.addi %add3A_827, %add3A_830 : vector<16xi32>
      %gather3A_832 = tpu.vector_load_idx %arg4[%add3A_831] : memref<6144xf32, #tpu.memory_space<vmem>>[vector<16xi32>], vector<16xf32>,
      %add3A_833 = arith.constant 2 : i32
      %add3A_834 = vector.broadcast %add3A_833 : i32 to vector<16xi32>
      %add3A_835 = arith.addi %add3A_827, %add3A_834 : vector<16xi32>
      %gather3A_836 = tpu.vector_load_idx %arg4[%add3A_835] : memref<6144xf32, #tpu.memory_space<vmem>>[vector<16xi32>], vector<16xf32>,
      %mul3A_837 = arith.mulf %gather3A_828, %gather3A_828 : vector<16xf32>
      %mul3A_838 = arith.mulf %gather3A_832, %gather3A_832 : vector<16xf32>
      %mul3A_839 = arith.mulf %gather3A_836, %gather3A_836 : vector<16xf32>
      %add3A_840 = arith.addf %mul3A_837, %mul3A_838 : vector<16xf32>
      %add3A_841 = arith.addf %add3A_840, %mul3A_839 : vector<16xf32>
      %ge3A_842 = arith.constant 1.000000e+00 : f32
      %ge3A_843 = vector.broadcast %ge3A_842 : f32 to vector<16xf32>
      %ge3A_844 = arith.cmpf oge, %add3A_841, %ge3A_843 : vector<16xf32>
      %jit3A_845 = arith.constant 1 : i32
      %jit3A_846 = arith.constant 0 : i32
      %broadcast_in_dim3A_847 = vector.broadcast %jit3A_845 : i32 to vector<16xi32>
      %broadcast_in_dim3A_848 = vector.broadcast %jit3A_846 : i32 to vector<16xi32>
      %select_n3A_849 = arith.select %ge3A_844, %broadcast_in_dim3A_847, %broadcast_in_dim3A_848 : vector<16xi1>, vector<16xi32>
      %ge3A_850 = arith.constant 4.000000e+00 : f32
      %ge3A_851 = vector.broadcast %ge3A_850 : f32 to vector<16xf32>
      %ge3A_852 = arith.cmpf oge, %add3A_841, %ge3A_851 : vector<16xf32>
      %jit3A_853 = arith.constant 1 : i32
      %jit3A_854 = arith.constant 0 : i32
      %broadcast_in_dim3A_855 = vector.broadcast %jit3A_853 : i32 to vector<16xi32>
      %broadcast_in_dim3A_856 = vector.broadcast %jit3A_854 : i32 to vector<16xi32>
      %select_n3A_857 = arith.select %ge3A_852, %broadcast_in_dim3A_855, %broadcast_in_dim3A_856 : vector<16xi1>, vector<16xi32>
      %add3A_858 = arith.addi %select_n3A_849, %select_n3A_857 : vector<16xi32>
      %ge3A_859 = arith.constant 9.000000e+00 : f32
      %ge3A_860 = vector.broadcast %ge3A_859 : f32 to vector<16xf32>
      %ge3A_861 = arith.cmpf oge, %add3A_841, %ge3A_860 : vector<16xf32>
      %jit3A_862 = arith.constant 1 : i32
      %jit3A_863 = arith.constant 0 : i32
      %broadcast_in_dim3A_864 = vector.broadcast %jit3A_862 : i32 to vector<16xi32>
      %broadcast_in_dim3A_865 = vector.broadcast %jit3A_863 : i32 to vector<16xi32>
      %select_n3A_866 = arith.select %ge3A_861, %broadcast_in_dim3A_864, %broadcast_in_dim3A_865 : vector<16xi1>, vector<16xi32>
      %add3A_867 = arith.addi %add3A_858, %select_n3A_866 : vector<16xi32>
      %gt3A_868 = arith.constant 0.000000e+00 : f32
      %gt3A_869 = vector.broadcast %gt3A_868 : f32 to vector<16xf32>
      %gt3A_870 = arith.cmpf ogt, %gather3A_832, %gt3A_869 : vector<16xf32>
      %lt3A_871 = arith.constant 0.000000e+00 : f32
      %lt3A_872 = vector.broadcast %lt3A_871 : f32 to vector<16xf32>
      %lt3A_873 = arith.cmpf olt, %gather3A_832, %lt3A_872 : vector<16xf32>
      %gt3A_874 = arith.constant 0.000000e+00 : f32
      %gt3A_875 = vector.broadcast %gt3A_874 : f32 to vector<16xf32>
      %gt3A_876 = arith.cmpf ogt, %gather3A_828, %gt3A_875 : vector<16xf32>
      %lt3A_877 = arith.constant 0.000000e+00 : f32
      %lt3A_878 = vector.broadcast %lt3A_877 : f32 to vector<16xf32>
      %lt3A_879 = arith.cmpf olt, %gather3A_828, %lt3A_878 : vector<16xf32>
      %and3A_880 = arith.andi %gt3A_870, %gt3A_876 : vector<16xi1>
      %ge3A_881 = arith.cmpf oge, %gather3A_832, %gather3A_828 : vector<16xf32>
      %jit3A_882 = arith.constant 1 : i32
      %jit3A_883 = arith.constant 0 : i32
      %broadcast_in_dim3A_884 = vector.broadcast %jit3A_882 : i32 to vector<16xi32>
      %broadcast_in_dim3A_885 = vector.broadcast %jit3A_883 : i32 to vector<16xi32>
      %select_n3A_886 = arith.select %ge3A_881, %broadcast_in_dim3A_884, %broadcast_in_dim3A_885 : vector<16xi1>, vector<16xi32>
      %neg3A_887 = arith.constant 0.000000e+00 : f32
      %neg3A_888 = vector.broadcast %neg3A_887 : f32 to vector<16xf32>
      %neg3A_889 = arith.subf %neg3A_888, %gather3A_828 : vector<16xf32>
      %gt3A_890 = arith.cmpf ogt, %gather3A_832, %neg3A_889 : vector<16xf32>
      %jit3A_891 = arith.constant 2 : i32
      %jit3A_892 = arith.constant 3 : i32
      %broadcast_in_dim3A_893 = vector.broadcast %jit3A_891 : i32 to vector<16xi32>
      %broadcast_in_dim3A_894 = vector.broadcast %jit3A_892 : i32 to vector<16xi32>
      %select_n3A_895 = arith.select %gt3A_890, %broadcast_in_dim3A_893, %broadcast_in_dim3A_894 : vector<16xi1>, vector<16xi32>
      %and3A_896 = arith.andi %lt3A_873, %lt3A_879 : vector<16xi1>
      %gt3A_897 = arith.cmpf ogt, %gather3A_832, %gather3A_828 : vector<16xf32>
      %jit3A_898 = arith.constant 4 : i32
      %jit3A_899 = arith.constant 5 : i32
      %broadcast_in_dim3A_900 = vector.broadcast %jit3A_898 : i32 to vector<16xi32>
      %broadcast_in_dim3A_901 = vector.broadcast %jit3A_899 : i32 to vector<16xi32>
      %select_n3A_902 = arith.select %gt3A_897, %broadcast_in_dim3A_900, %broadcast_in_dim3A_901 : vector<16xi1>, vector<16xi32>
      %neg3A_903 = arith.constant 0.000000e+00 : f32
      %neg3A_904 = vector.broadcast %neg3A_903 : f32 to vector<16xf32>
      %neg3A_905 = arith.subf %neg3A_904, %gather3A_832 : vector<16xf32>
      %gt3A_906 = arith.cmpf ogt, %neg3A_905, %gather3A_828 : vector<16xf32>
      %jit3A_907 = arith.constant 6 : i32
      %jit3A_908 = arith.constant 7 : i32
      %broadcast_in_dim3A_909 = vector.broadcast %jit3A_907 : i32 to vector<16xi32>
      %broadcast_in_dim3A_910 = vector.broadcast %jit3A_908 : i32 to vector<16xi32>
      %select_n3A_911 = arith.select %gt3A_906, %broadcast_in_dim3A_909, %broadcast_in_dim3A_910 : vector<16xi1>, vector<16xi32>
      %jit3A_912 = arith.constant 4 : i32
      %jit3A_913 = arith.constant 0 : i32
      %broadcast_in_dim3A_914 = vector.broadcast %jit3A_912 : i32 to vector<16xi32>
      %broadcast_in_dim3A_915 = vector.broadcast %jit3A_913 : i32 to vector<16xi32>
      %select_n3A_916 = arith.select %lt3A_879, %broadcast_in_dim3A_914, %broadcast_in_dim3A_915 : vector<16xi1>, vector<16xi32>
      %select_n3A_917 = arith.select %lt3A_873, %select_n3A_911, %select_n3A_916 : vector<16xi1>, vector<16xi32>
      %select_n3A_918 = arith.select %and3A_896, %select_n3A_902, %select_n3A_917 : vector<16xi1>, vector<16xi32>
      %select_n3A_919 = arith.select %gt3A_870, %select_n3A_895, %select_n3A_918 : vector<16xi1>, vector<16xi32>
      %select_n3A_920 = arith.select %and3A_880, %select_n3A_886, %select_n3A_919 : vector<16xi1>, vector<16xi32>
      %mul3A_921 = arith.constant 2.000000e+00 : f32
      %mul3A_922 = vector.broadcast %mul3A_921 : f32 to vector<16xf32>
      %mul3A_923 = arith.mulf %mul3A_922, %mul3A_839 : vector<16xf32>
      %le3A_924 = arith.constant 0.000000e+00 : f32
      %le3A_925 = vector.broadcast %le3A_924 : f32 to vector<16xf32>
      %le3A_926 = arith.cmpf ole, %gather3A_836, %le3A_925 : vector<16xf32>
      %lt3A_927 = arith.constant 0.000000e+00 : f32
      %lt3A_928 = vector.broadcast %lt3A_927 : f32 to vector<16xf32>
      %lt3A_929 = arith.cmpf olt, %gather3A_836, %lt3A_928 : vector<16xf32>
      %le3A_930 = arith.cmpf ole, %mul3A_923, %add3A_841 : vector<16xf32>
      %or3A_931 = arith.ori %le3A_926, %le3A_930 : vector<16xi1>
      %jit3A_932 = arith.constant 1 : i32
      %jit3A_933 = arith.constant 0 : i32
      %broadcast_in_dim3A_934 = vector.broadcast %jit3A_932 : i32 to vector<16xi32>
      %broadcast_in_dim3A_935 = vector.broadcast %jit3A_933 : i32 to vector<16xi32>
      %select_n3A_936 = arith.select %or3A_931, %broadcast_in_dim3A_934, %broadcast_in_dim3A_935 : vector<16xi1>, vector<16xi32>
      %jit3A_937 = arith.constant 1 : i32
      %jit3A_938 = arith.constant 0 : i32
      %broadcast_in_dim3A_939 = vector.broadcast %jit3A_937 : i32 to vector<16xi32>
      %broadcast_in_dim3A_940 = vector.broadcast %jit3A_938 : i32 to vector<16xi32>
      %select_n3A_941 = arith.select %le3A_926, %broadcast_in_dim3A_939, %broadcast_in_dim3A_940 : vector<16xi1>, vector<16xi32>
      %add3A_942 = arith.addi %select_n3A_936, %select_n3A_941 : vector<16xi32>
      %ge3A_943 = arith.cmpf oge, %mul3A_923, %add3A_841 : vector<16xf32>
      %and3A_944 = arith.andi %lt3A_929, %ge3A_943 : vector<16xi1>
      %jit3A_945 = arith.constant 1 : i32
      %jit3A_946 = arith.constant 0 : i32
      %broadcast_in_dim3A_947 = vector.broadcast %jit3A_945 : i32 to vector<16xi32>
      %broadcast_in_dim3A_948 = vector.broadcast %jit3A_946 : i32 to vector<16xi32>
      %select_n3A_949 = arith.select %and3A_944, %broadcast_in_dim3A_947, %broadcast_in_dim3A_948 : vector<16xi1>, vector<16xi32>
      %add3A_950 = arith.addi %add3A_942, %select_n3A_949 : vector<16xi32>
      %lt3A_951 = arith.constant 1.600000e+01 : f32
      %lt3A_952 = vector.broadcast %lt3A_951 : f32 to vector<16xf32>
      %lt3A_953 = arith.cmpf olt, %add3A_841, %lt3A_952 : vector<16xf32>
      %ge3A_954 = arith.cmpf oge, %mul3A_839, %add3A_841 : vector<16xf32>
      %and3A_955 = arith.andi %lt3A_929, %ge3A_954 : vector<16xi1>
      %not3A_956 = arith.constant dense<true> : vector<16xi1>
      %not3A_957 = arith.xori %and3A_955, %not3A_956 : vector<16xi1>
      %and3A_958 = arith.andi %lt3A_953, %not3A_957 : vector<16xi1>
      %mul3A_959 = arith.constant 32 : i32
      %mul3A_960 = vector.broadcast %mul3A_959 : i32 to vector<16xi32>
      %mul3A_961 = arith.muli %add3A_867, %mul3A_960 : vector<16xi32>
      %mul3A_962 = arith.constant 4 : i32
      %mul3A_963 = vector.broadcast %mul3A_962 : i32 to vector<16xi32>
      %mul3A_964 = arith.muli %select_n3A_920, %mul3A_963 : vector<16xi32>
      %add3A_965 = arith.addi %mul3A_961, %mul3A_964 : vector<16xi32>
      %add3A_966 = arith.addi %add3A_965, %add3A_950 : vector<16xi32>
      %add3A_967 = arith.addi %mul3A_268, %add3A_966 : vector<16xi32>
      %add3A_968 = arith.constant 2048 : i32
      %add3A_969 = vector.broadcast %add3A_968 : i32 to vector<16xi32>
      %add3A_970 = arith.addi %add3A_969, %iota3A : vector<16xi32>
      %select_n3A_971 = arith.select %and3A_958, %add3A_967, %add3A_970 : vector<16xi1>, vector<16xi32>
      tpu.vector_store_idx %arg5[%select_n3A_971], %broadcast_in_dim3A_6 {add = true} : memref<2064xf32, #tpu.memory_space<vmem>>[vector<16xi32>], vector<16xf32>,
      %add3A_972 = arith.constant 96 : i32
      %add3A_973 = vector.broadcast %add3A_972 : i32 to vector<16xi32>
      %add3A_974 = arith.addi %add3A_687, %add3A_973 : vector<16xi32>
      %gather3A_975 = tpu.vector_load_idx %arg4[%add3A_974] : memref<6144xf32, #tpu.memory_space<vmem>>[vector<16xi32>], vector<16xf32>,
      %add3A_976 = arith.constant 1 : i32
      %add3A_977 = vector.broadcast %add3A_976 : i32 to vector<16xi32>
      %add3A_978 = arith.addi %add3A_974, %add3A_977 : vector<16xi32>
      %gather3A_979 = tpu.vector_load_idx %arg4[%add3A_978] : memref<6144xf32, #tpu.memory_space<vmem>>[vector<16xi32>], vector<16xf32>,
      %add3A_980 = arith.constant 2 : i32
      %add3A_981 = vector.broadcast %add3A_980 : i32 to vector<16xi32>
      %add3A_982 = arith.addi %add3A_974, %add3A_981 : vector<16xi32>
      %gather3A_983 = tpu.vector_load_idx %arg4[%add3A_982] : memref<6144xf32, #tpu.memory_space<vmem>>[vector<16xi32>], vector<16xf32>,
      %mul3A_984 = arith.mulf %gather3A_975, %gather3A_975 : vector<16xf32>
      %mul3A_985 = arith.mulf %gather3A_979, %gather3A_979 : vector<16xf32>
      %mul3A_986 = arith.mulf %gather3A_983, %gather3A_983 : vector<16xf32>
      %add3A_987 = arith.addf %mul3A_984, %mul3A_985 : vector<16xf32>
      %add3A_988 = arith.addf %add3A_987, %mul3A_986 : vector<16xf32>
      %ge3A_989 = arith.constant 1.000000e+00 : f32
      %ge3A_990 = vector.broadcast %ge3A_989 : f32 to vector<16xf32>
      %ge3A_991 = arith.cmpf oge, %add3A_988, %ge3A_990 : vector<16xf32>
      %jit3A_992 = arith.constant 1 : i32
      %jit3A_993 = arith.constant 0 : i32
      %broadcast_in_dim3A_994 = vector.broadcast %jit3A_992 : i32 to vector<16xi32>
      %broadcast_in_dim3A_995 = vector.broadcast %jit3A_993 : i32 to vector<16xi32>
      %select_n3A_996 = arith.select %ge3A_991, %broadcast_in_dim3A_994, %broadcast_in_dim3A_995 : vector<16xi1>, vector<16xi32>
      %ge3A_997 = arith.constant 4.000000e+00 : f32
      %ge3A_998 = vector.broadcast %ge3A_997 : f32 to vector<16xf32>
      %ge3A_999 = arith.cmpf oge, %add3A_988, %ge3A_998 : vector<16xf32>
      %jit3A_1000 = arith.constant 1 : i32
      %jit3A_1001 = arith.constant 0 : i32
      %broadcast_in_dim3A_1002 = vector.broadcast %jit3A_1000 : i32 to vector<16xi32>
      %broadcast_in_dim3A_1003 = vector.broadcast %jit3A_1001 : i32 to vector<16xi32>
      %select_n3A_1004 = arith.select %ge3A_999, %broadcast_in_dim3A_1002, %broadcast_in_dim3A_1003 : vector<16xi1>, vector<16xi32>
      %add3A_1005 = arith.addi %select_n3A_996, %select_n3A_1004 : vector<16xi32>
      %ge3A_1006 = arith.constant 9.000000e+00 : f32
      %ge3A_1007 = vector.broadcast %ge3A_1006 : f32 to vector<16xf32>
      %ge3A_1008 = arith.cmpf oge, %add3A_988, %ge3A_1007 : vector<16xf32>
      %jit3A_1009 = arith.constant 1 : i32
      %jit3A_1010 = arith.constant 0 : i32
      %broadcast_in_dim3A_1011 = vector.broadcast %jit3A_1009 : i32 to vector<16xi32>
      %broadcast_in_dim3A_1012 = vector.broadcast %jit3A_1010 : i32 to vector<16xi32>
      %select_n3A_1013 = arith.select %ge3A_1008, %broadcast_in_dim3A_1011, %broadcast_in_dim3A_1012 : vector<16xi1>, vector<16xi32>
      %add3A_1014 = arith.addi %add3A_1005, %select_n3A_1013 : vector<16xi32>
      %gt3A_1015 = arith.constant 0.000000e+00 : f32
      %gt3A_1016 = vector.broadcast %gt3A_1015 : f32 to vector<16xf32>
      %gt3A_1017 = arith.cmpf ogt, %gather3A_979, %gt3A_1016 : vector<16xf32>
      %lt3A_1018 = arith.constant 0.000000e+00 : f32
      %lt3A_1019 = vector.broadcast %lt3A_1018 : f32 to vector<16xf32>
      %lt3A_1020 = arith.cmpf olt, %gather3A_979, %lt3A_1019 : vector<16xf32>
      %gt3A_1021 = arith.constant 0.000000e+00 : f32
      %gt3A_1022 = vector.broadcast %gt3A_1021 : f32 to vector<16xf32>
      %gt3A_1023 = arith.cmpf ogt, %gather3A_975, %gt3A_1022 : vector<16xf32>
      %lt3A_1024 = arith.constant 0.000000e+00 : f32
      %lt3A_1025 = vector.broadcast %lt3A_1024 : f32 to vector<16xf32>
      %lt3A_1026 = arith.cmpf olt, %gather3A_975, %lt3A_1025 : vector<16xf32>
      %and3A_1027 = arith.andi %gt3A_1017, %gt3A_1023 : vector<16xi1>
      %ge3A_1028 = arith.cmpf oge, %gather3A_979, %gather3A_975 : vector<16xf32>
      %jit3A_1029 = arith.constant 1 : i32
      %jit3A_1030 = arith.constant 0 : i32
      %broadcast_in_dim3A_1031 = vector.broadcast %jit3A_1029 : i32 to vector<16xi32>
      %broadcast_in_dim3A_1032 = vector.broadcast %jit3A_1030 : i32 to vector<16xi32>
      %select_n3A_1033 = arith.select %ge3A_1028, %broadcast_in_dim3A_1031, %broadcast_in_dim3A_1032 : vector<16xi1>, vector<16xi32>
      %neg3A_1034 = arith.constant 0.000000e+00 : f32
      %neg3A_1035 = vector.broadcast %neg3A_1034 : f32 to vector<16xf32>
      %neg3A_1036 = arith.subf %neg3A_1035, %gather3A_975 : vector<16xf32>
      %gt3A_1037 = arith.cmpf ogt, %gather3A_979, %neg3A_1036 : vector<16xf32>
      %jit3A_1038 = arith.constant 2 : i32
      %jit3A_1039 = arith.constant 3 : i32
      %broadcast_in_dim3A_1040 = vector.broadcast %jit3A_1038 : i32 to vector<16xi32>
      %broadcast_in_dim3A_1041 = vector.broadcast %jit3A_1039 : i32 to vector<16xi32>
      %select_n3A_1042 = arith.select %gt3A_1037, %broadcast_in_dim3A_1040, %broadcast_in_dim3A_1041 : vector<16xi1>, vector<16xi32>
      %and3A_1043 = arith.andi %lt3A_1020, %lt3A_1026 : vector<16xi1>
      %gt3A_1044 = arith.cmpf ogt, %gather3A_979, %gather3A_975 : vector<16xf32>
      %jit3A_1045 = arith.constant 4 : i32
      %jit3A_1046 = arith.constant 5 : i32
      %broadcast_in_dim3A_1047 = vector.broadcast %jit3A_1045 : i32 to vector<16xi32>
      %broadcast_in_dim3A_1048 = vector.broadcast %jit3A_1046 : i32 to vector<16xi32>
      %select_n3A_1049 = arith.select %gt3A_1044, %broadcast_in_dim3A_1047, %broadcast_in_dim3A_1048 : vector<16xi1>, vector<16xi32>
      %neg3A_1050 = arith.constant 0.000000e+00 : f32
      %neg3A_1051 = vector.broadcast %neg3A_1050 : f32 to vector<16xf32>
      %neg3A_1052 = arith.subf %neg3A_1051, %gather3A_979 : vector<16xf32>
      %gt3A_1053 = arith.cmpf ogt, %neg3A_1052, %gather3A_975 : vector<16xf32>
      %jit3A_1054 = arith.constant 6 : i32
      %jit3A_1055 = arith.constant 7 : i32
      %broadcast_in_dim3A_1056 = vector.broadcast %jit3A_1054 : i32 to vector<16xi32>
      %broadcast_in_dim3A_1057 = vector.broadcast %jit3A_1055 : i32 to vector<16xi32>
      %select_n3A_1058 = arith.select %gt3A_1053, %broadcast_in_dim3A_1056, %broadcast_in_dim3A_1057 : vector<16xi1>, vector<16xi32>
      %jit3A_1059 = arith.constant 4 : i32
      %jit3A_1060 = arith.constant 0 : i32
      %broadcast_in_dim3A_1061 = vector.broadcast %jit3A_1059 : i32 to vector<16xi32>
      %broadcast_in_dim3A_1062 = vector.broadcast %jit3A_1060 : i32 to vector<16xi32>
      %select_n3A_1063 = arith.select %lt3A_1026, %broadcast_in_dim3A_1061, %broadcast_in_dim3A_1062 : vector<16xi1>, vector<16xi32>
      %select_n3A_1064 = arith.select %lt3A_1020, %select_n3A_1058, %select_n3A_1063 : vector<16xi1>, vector<16xi32>
      %select_n3A_1065 = arith.select %and3A_1043, %select_n3A_1049, %select_n3A_1064 : vector<16xi1>, vector<16xi32>
      %select_n3A_1066 = arith.select %gt3A_1017, %select_n3A_1042, %select_n3A_1065 : vector<16xi1>, vector<16xi32>
      %select_n3A_1067 = arith.select %and3A_1027, %select_n3A_1033, %select_n3A_1066 : vector<16xi1>, vector<16xi32>
      %mul3A_1068 = arith.constant 2.000000e+00 : f32
      %mul3A_1069 = vector.broadcast %mul3A_1068 : f32 to vector<16xf32>
      %mul3A_1070 = arith.mulf %mul3A_1069, %mul3A_986 : vector<16xf32>
      %le3A_1071 = arith.constant 0.000000e+00 : f32
      %le3A_1072 = vector.broadcast %le3A_1071 : f32 to vector<16xf32>
      %le3A_1073 = arith.cmpf ole, %gather3A_983, %le3A_1072 : vector<16xf32>
      %lt3A_1074 = arith.constant 0.000000e+00 : f32
      %lt3A_1075 = vector.broadcast %lt3A_1074 : f32 to vector<16xf32>
      %lt3A_1076 = arith.cmpf olt, %gather3A_983, %lt3A_1075 : vector<16xf32>
      %le3A_1077 = arith.cmpf ole, %mul3A_1070, %add3A_988 : vector<16xf32>
      %or3A_1078 = arith.ori %le3A_1073, %le3A_1077 : vector<16xi1>
      %jit3A_1079 = arith.constant 1 : i32
      %jit3A_1080 = arith.constant 0 : i32
      %broadcast_in_dim3A_1081 = vector.broadcast %jit3A_1079 : i32 to vector<16xi32>
      %broadcast_in_dim3A_1082 = vector.broadcast %jit3A_1080 : i32 to vector<16xi32>
      %select_n3A_1083 = arith.select %or3A_1078, %broadcast_in_dim3A_1081, %broadcast_in_dim3A_1082 : vector<16xi1>, vector<16xi32>
      %jit3A_1084 = arith.constant 1 : i32
      %jit3A_1085 = arith.constant 0 : i32
      %broadcast_in_dim3A_1086 = vector.broadcast %jit3A_1084 : i32 to vector<16xi32>
      %broadcast_in_dim3A_1087 = vector.broadcast %jit3A_1085 : i32 to vector<16xi32>
      %select_n3A_1088 = arith.select %le3A_1073, %broadcast_in_dim3A_1086, %broadcast_in_dim3A_1087 : vector<16xi1>, vector<16xi32>
      %add3A_1089 = arith.addi %select_n3A_1083, %select_n3A_1088 : vector<16xi32>
      %ge3A_1090 = arith.cmpf oge, %mul3A_1070, %add3A_988 : vector<16xf32>
      %and3A_1091 = arith.andi %lt3A_1076, %ge3A_1090 : vector<16xi1>
      %jit3A_1092 = arith.constant 1 : i32
      %jit3A_1093 = arith.constant 0 : i32
      %broadcast_in_dim3A_1094 = vector.broadcast %jit3A_1092 : i32 to vector<16xi32>
      %broadcast_in_dim3A_1095 = vector.broadcast %jit3A_1093 : i32 to vector<16xi32>
      %select_n3A_1096 = arith.select %and3A_1091, %broadcast_in_dim3A_1094, %broadcast_in_dim3A_1095 : vector<16xi1>, vector<16xi32>
      %add3A_1097 = arith.addi %add3A_1089, %select_n3A_1096 : vector<16xi32>
      %lt3A_1098 = arith.constant 1.600000e+01 : f32
      %lt3A_1099 = vector.broadcast %lt3A_1098 : f32 to vector<16xf32>
      %lt3A_1100 = arith.cmpf olt, %add3A_988, %lt3A_1099 : vector<16xf32>
      %ge3A_1101 = arith.cmpf oge, %mul3A_986, %add3A_988 : vector<16xf32>
      %and3A_1102 = arith.andi %lt3A_1076, %ge3A_1101 : vector<16xi1>
      %not3A_1103 = arith.constant dense<true> : vector<16xi1>
      %not3A_1104 = arith.xori %and3A_1102, %not3A_1103 : vector<16xi1>
      %and3A_1105 = arith.andi %lt3A_1100, %not3A_1104 : vector<16xi1>
      %mul3A_1106 = arith.constant 32 : i32
      %mul3A_1107 = vector.broadcast %mul3A_1106 : i32 to vector<16xi32>
      %mul3A_1108 = arith.muli %add3A_1014, %mul3A_1107 : vector<16xi32>
      %mul3A_1109 = arith.constant 4 : i32
      %mul3A_1110 = vector.broadcast %mul3A_1109 : i32 to vector<16xi32>
      %mul3A_1111 = arith.muli %select_n3A_1067, %mul3A_1110 : vector<16xi32>
      %add3A_1112 = arith.addi %mul3A_1108, %mul3A_1111 : vector<16xi32>
      %add3A_1113 = arith.addi %add3A_1112, %add3A_1097 : vector<16xi32>
      %add3A_1114 = arith.addi %mul3A_268, %add3A_1113 : vector<16xi32>
      %add3A_1115 = arith.constant 2048 : i32
      %add3A_1116 = vector.broadcast %add3A_1115 : i32 to vector<16xi32>
      %add3A_1117 = arith.addi %add3A_1116, %iota3A : vector<16xi32>
      %select_n3A_1118 = arith.select %and3A_1105, %add3A_1114, %add3A_1117 : vector<16xi1>, vector<16xi32>
      tpu.vector_store_idx %arg5[%select_n3A_1118], %broadcast_in_dim3A_6 {add = true} : memref<2064xf32, #tpu.memory_space<vmem>>[vector<16xi32>], vector<16xf32>,
      %add3A_1119 = arith.constant 144 : i32
      %add3A_1120 = vector.broadcast %add3A_1119 : i32 to vector<16xi32>
      %add3A_1121 = arith.addi %add3A_687, %add3A_1120 : vector<16xi32>
      %gather3A_1122 = tpu.vector_load_idx %arg4[%add3A_1121] : memref<6144xf32, #tpu.memory_space<vmem>>[vector<16xi32>], vector<16xf32>,
      %add3A_1123 = arith.constant 1 : i32
      %add3A_1124 = vector.broadcast %add3A_1123 : i32 to vector<16xi32>
      %add3A_1125 = arith.addi %add3A_1121, %add3A_1124 : vector<16xi32>
      %gather3A_1126 = tpu.vector_load_idx %arg4[%add3A_1125] : memref<6144xf32, #tpu.memory_space<vmem>>[vector<16xi32>], vector<16xf32>,
      %add3A_1127 = arith.constant 2 : i32
      %add3A_1128 = vector.broadcast %add3A_1127 : i32 to vector<16xi32>
      %add3A_1129 = arith.addi %add3A_1121, %add3A_1128 : vector<16xi32>
      %gather3A_1130 = tpu.vector_load_idx %arg4[%add3A_1129] : memref<6144xf32, #tpu.memory_space<vmem>>[vector<16xi32>], vector<16xf32>,
      %mul3A_1131 = arith.mulf %gather3A_1122, %gather3A_1122 : vector<16xf32>
      %mul3A_1132 = arith.mulf %gather3A_1126, %gather3A_1126 : vector<16xf32>
      %mul3A_1133 = arith.mulf %gather3A_1130, %gather3A_1130 : vector<16xf32>
      %add3A_1134 = arith.addf %mul3A_1131, %mul3A_1132 : vector<16xf32>
      %add3A_1135 = arith.addf %add3A_1134, %mul3A_1133 : vector<16xf32>
      %ge3A_1136 = arith.constant 1.000000e+00 : f32
      %ge3A_1137 = vector.broadcast %ge3A_1136 : f32 to vector<16xf32>
      %ge3A_1138 = arith.cmpf oge, %add3A_1135, %ge3A_1137 : vector<16xf32>
      %jit3A_1139 = arith.constant 1 : i32
      %jit3A_1140 = arith.constant 0 : i32
      %broadcast_in_dim3A_1141 = vector.broadcast %jit3A_1139 : i32 to vector<16xi32>
      %broadcast_in_dim3A_1142 = vector.broadcast %jit3A_1140 : i32 to vector<16xi32>
      %select_n3A_1143 = arith.select %ge3A_1138, %broadcast_in_dim3A_1141, %broadcast_in_dim3A_1142 : vector<16xi1>, vector<16xi32>
      %ge3A_1144 = arith.constant 4.000000e+00 : f32
      %ge3A_1145 = vector.broadcast %ge3A_1144 : f32 to vector<16xf32>
      %ge3A_1146 = arith.cmpf oge, %add3A_1135, %ge3A_1145 : vector<16xf32>
      %jit3A_1147 = arith.constant 1 : i32
      %jit3A_1148 = arith.constant 0 : i32
      %broadcast_in_dim3A_1149 = vector.broadcast %jit3A_1147 : i32 to vector<16xi32>
      %broadcast_in_dim3A_1150 = vector.broadcast %jit3A_1148 : i32 to vector<16xi32>
      %select_n3A_1151 = arith.select %ge3A_1146, %broadcast_in_dim3A_1149, %broadcast_in_dim3A_1150 : vector<16xi1>, vector<16xi32>
      %add3A_1152 = arith.addi %select_n3A_1143, %select_n3A_1151 : vector<16xi32>
      %ge3A_1153 = arith.constant 9.000000e+00 : f32
      %ge3A_1154 = vector.broadcast %ge3A_1153 : f32 to vector<16xf32>
      %ge3A_1155 = arith.cmpf oge, %add3A_1135, %ge3A_1154 : vector<16xf32>
      %jit3A_1156 = arith.constant 1 : i32
      %jit3A_1157 = arith.constant 0 : i32
      %broadcast_in_dim3A_1158 = vector.broadcast %jit3A_1156 : i32 to vector<16xi32>
      %broadcast_in_dim3A_1159 = vector.broadcast %jit3A_1157 : i32 to vector<16xi32>
      %select_n3A_1160 = arith.select %ge3A_1155, %broadcast_in_dim3A_1158, %broadcast_in_dim3A_1159 : vector<16xi1>, vector<16xi32>
      %add3A_1161 = arith.addi %add3A_1152, %select_n3A_1160 : vector<16xi32>
      %gt3A_1162 = arith.constant 0.000000e+00 : f32
      %gt3A_1163 = vector.broadcast %gt3A_1162 : f32 to vector<16xf32>
      %gt3A_1164 = arith.cmpf ogt, %gather3A_1126, %gt3A_1163 : vector<16xf32>
      %lt3A_1165 = arith.constant 0.000000e+00 : f32
      %lt3A_1166 = vector.broadcast %lt3A_1165 : f32 to vector<16xf32>
      %lt3A_1167 = arith.cmpf olt, %gather3A_1126, %lt3A_1166 : vector<16xf32>
      %gt3A_1168 = arith.constant 0.000000e+00 : f32
      %gt3A_1169 = vector.broadcast %gt3A_1168 : f32 to vector<16xf32>
      %gt3A_1170 = arith.cmpf ogt, %gather3A_1122, %gt3A_1169 : vector<16xf32>
      %lt3A_1171 = arith.constant 0.000000e+00 : f32
      %lt3A_1172 = vector.broadcast %lt3A_1171 : f32 to vector<16xf32>
      %lt3A_1173 = arith.cmpf olt, %gather3A_1122, %lt3A_1172 : vector<16xf32>
      %and3A_1174 = arith.andi %gt3A_1164, %gt3A_1170 : vector<16xi1>
      %ge3A_1175 = arith.cmpf oge, %gather3A_1126, %gather3A_1122 : vector<16xf32>
      %jit3A_1176 = arith.constant 1 : i32
      %jit3A_1177 = arith.constant 0 : i32
      %broadcast_in_dim3A_1178 = vector.broadcast %jit3A_1176 : i32 to vector<16xi32>
      %broadcast_in_dim3A_1179 = vector.broadcast %jit3A_1177 : i32 to vector<16xi32>
      %select_n3A_1180 = arith.select %ge3A_1175, %broadcast_in_dim3A_1178, %broadcast_in_dim3A_1179 : vector<16xi1>, vector<16xi32>
      %neg3A_1181 = arith.constant 0.000000e+00 : f32
      %neg3A_1182 = vector.broadcast %neg3A_1181 : f32 to vector<16xf32>
      %neg3A_1183 = arith.subf %neg3A_1182, %gather3A_1122 : vector<16xf32>
      %gt3A_1184 = arith.cmpf ogt, %gather3A_1126, %neg3A_1183 : vector<16xf32>
      %jit3A_1185 = arith.constant 2 : i32
      %jit3A_1186 = arith.constant 3 : i32
      %broadcast_in_dim3A_1187 = vector.broadcast %jit3A_1185 : i32 to vector<16xi32>
      %broadcast_in_dim3A_1188 = vector.broadcast %jit3A_1186 : i32 to vector<16xi32>
      %select_n3A_1189 = arith.select %gt3A_1184, %broadcast_in_dim3A_1187, %broadcast_in_dim3A_1188 : vector<16xi1>, vector<16xi32>
      %and3A_1190 = arith.andi %lt3A_1167, %lt3A_1173 : vector<16xi1>
      %gt3A_1191 = arith.cmpf ogt, %gather3A_1126, %gather3A_1122 : vector<16xf32>
      %jit3A_1192 = arith.constant 4 : i32
      %jit3A_1193 = arith.constant 5 : i32
      %broadcast_in_dim3A_1194 = vector.broadcast %jit3A_1192 : i32 to vector<16xi32>
      %broadcast_in_dim3A_1195 = vector.broadcast %jit3A_1193 : i32 to vector<16xi32>
      %select_n3A_1196 = arith.select %gt3A_1191, %broadcast_in_dim3A_1194, %broadcast_in_dim3A_1195 : vector<16xi1>, vector<16xi32>
      %neg3A_1197 = arith.constant 0.000000e+00 : f32
      %neg3A_1198 = vector.broadcast %neg3A_1197 : f32 to vector<16xf32>
      %neg3A_1199 = arith.subf %neg3A_1198, %gather3A_1126 : vector<16xf32>
      %gt3A_1200 = arith.cmpf ogt, %neg3A_1199, %gather3A_1122 : vector<16xf32>
      %jit3A_1201 = arith.constant 6 : i32
      %jit3A_1202 = arith.constant 7 : i32
      %broadcast_in_dim3A_1203 = vector.broadcast %jit3A_1201 : i32 to vector<16xi32>
      %broadcast_in_dim3A_1204 = vector.broadcast %jit3A_1202 : i32 to vector<16xi32>
      %select_n3A_1205 = arith.select %gt3A_1200, %broadcast_in_dim3A_1203, %broadcast_in_dim3A_1204 : vector<16xi1>, vector<16xi32>
      %jit3A_1206 = arith.constant 4 : i32
      %jit3A_1207 = arith.constant 0 : i32
      %broadcast_in_dim3A_1208 = vector.broadcast %jit3A_1206 : i32 to vector<16xi32>
      %broadcast_in_dim3A_1209 = vector.broadcast %jit3A_1207 : i32 to vector<16xi32>
      %select_n3A_1210 = arith.select %lt3A_1173, %broadcast_in_dim3A_1208, %broadcast_in_dim3A_1209 : vector<16xi1>, vector<16xi32>
      %select_n3A_1211 = arith.select %lt3A_1167, %select_n3A_1205, %select_n3A_1210 : vector<16xi1>, vector<16xi32>
      %select_n3A_1212 = arith.select %and3A_1190, %select_n3A_1196, %select_n3A_1211 : vector<16xi1>, vector<16xi32>
      %select_n3A_1213 = arith.select %gt3A_1164, %select_n3A_1189, %select_n3A_1212 : vector<16xi1>, vector<16xi32>
      %select_n3A_1214 = arith.select %and3A_1174, %select_n3A_1180, %select_n3A_1213 : vector<16xi1>, vector<16xi32>
      %mul3A_1215 = arith.constant 2.000000e+00 : f32
      %mul3A_1216 = vector.broadcast %mul3A_1215 : f32 to vector<16xf32>
      %mul3A_1217 = arith.mulf %mul3A_1216, %mul3A_1133 : vector<16xf32>
      %le3A_1218 = arith.constant 0.000000e+00 : f32
      %le3A_1219 = vector.broadcast %le3A_1218 : f32 to vector<16xf32>
      %le3A_1220 = arith.cmpf ole, %gather3A_1130, %le3A_1219 : vector<16xf32>
      %lt3A_1221 = arith.constant 0.000000e+00 : f32
      %lt3A_1222 = vector.broadcast %lt3A_1221 : f32 to vector<16xf32>
      %lt3A_1223 = arith.cmpf olt, %gather3A_1130, %lt3A_1222 : vector<16xf32>
      %le3A_1224 = arith.cmpf ole, %mul3A_1217, %add3A_1135 : vector<16xf32>
      %or3A_1225 = arith.ori %le3A_1220, %le3A_1224 : vector<16xi1>
      %jit3A_1226 = arith.constant 1 : i32
      %jit3A_1227 = arith.constant 0 : i32
      %broadcast_in_dim3A_1228 = vector.broadcast %jit3A_1226 : i32 to vector<16xi32>
      %broadcast_in_dim3A_1229 = vector.broadcast %jit3A_1227 : i32 to vector<16xi32>
      %select_n3A_1230 = arith.select %or3A_1225, %broadcast_in_dim3A_1228, %broadcast_in_dim3A_1229 : vector<16xi1>, vector<16xi32>
      %jit3A_1231 = arith.constant 1 : i32
      %jit3A_1232 = arith.constant 0 : i32
      %broadcast_in_dim3A_1233 = vector.broadcast %jit3A_1231 : i32 to vector<16xi32>
      %broadcast_in_dim3A_1234 = vector.broadcast %jit3A_1232 : i32 to vector<16xi32>
      %select_n3A_1235 = arith.select %le3A_1220, %broadcast_in_dim3A_1233, %broadcast_in_dim3A_1234 : vector<16xi1>, vector<16xi32>
      %add3A_1236 = arith.addi %select_n3A_1230, %select_n3A_1235 : vector<16xi32>
      %ge3A_1237 = arith.cmpf oge, %mul3A_1217, %add3A_1135 : vector<16xf32>
      %and3A_1238 = arith.andi %lt3A_1223, %ge3A_1237 : vector<16xi1>
      %jit3A_1239 = arith.constant 1 : i32
      %jit3A_1240 = arith.constant 0 : i32
      %broadcast_in_dim3A_1241 = vector.broadcast %jit3A_1239 : i32 to vector<16xi32>
      %broadcast_in_dim3A_1242 = vector.broadcast %jit3A_1240 : i32 to vector<16xi32>
      %select_n3A_1243 = arith.select %and3A_1238, %broadcast_in_dim3A_1241, %broadcast_in_dim3A_1242 : vector<16xi1>, vector<16xi32>
      %add3A_1244 = arith.addi %add3A_1236, %select_n3A_1243 : vector<16xi32>
      %lt3A_1245 = arith.constant 1.600000e+01 : f32
      %lt3A_1246 = vector.broadcast %lt3A_1245 : f32 to vector<16xf32>
      %lt3A_1247 = arith.cmpf olt, %add3A_1135, %lt3A_1246 : vector<16xf32>
      %ge3A_1248 = arith.cmpf oge, %mul3A_1133, %add3A_1135 : vector<16xf32>
      %and3A_1249 = arith.andi %lt3A_1223, %ge3A_1248 : vector<16xi1>
      %not3A_1250 = arith.constant dense<true> : vector<16xi1>
      %not3A_1251 = arith.xori %and3A_1249, %not3A_1250 : vector<16xi1>
      %and3A_1252 = arith.andi %lt3A_1247, %not3A_1251 : vector<16xi1>
      %mul3A_1253 = arith.constant 32 : i32
      %mul3A_1254 = vector.broadcast %mul3A_1253 : i32 to vector<16xi32>
      %mul3A_1255 = arith.muli %add3A_1161, %mul3A_1254 : vector<16xi32>
      %mul3A_1256 = arith.constant 4 : i32
      %mul3A_1257 = vector.broadcast %mul3A_1256 : i32 to vector<16xi32>
      %mul3A_1258 = arith.muli %select_n3A_1214, %mul3A_1257 : vector<16xi32>
      %add3A_1259 = arith.addi %mul3A_1255, %mul3A_1258 : vector<16xi32>
      %add3A_1260 = arith.addi %add3A_1259, %add3A_1244 : vector<16xi32>
      %add3A_1261 = arith.addi %mul3A_268, %add3A_1260 : vector<16xi32>
      %add3A_1262 = arith.constant 2048 : i32
      %add3A_1263 = vector.broadcast %add3A_1262 : i32 to vector<16xi32>
      %add3A_1264 = arith.addi %add3A_1263, %iota3A : vector<16xi32>
      %select_n3A_1265 = arith.select %and3A_1252, %add3A_1261, %add3A_1264 : vector<16xi1>, vector<16xi32>
      tpu.vector_store_idx %arg5[%select_n3A_1265], %broadcast_in_dim3A_6 {add = true} : memref<2064xf32, #tpu.memory_space<vmem>>[vector<16xi32>], vector<16xf32>,
    }
    %scan3A_273 = arith.constant 32 : i32
    %get3A = arith.constant 0 : index
    %get3A_274 = tpu.vector_load %arg5[%get3A] {strides = array<i32>} : memref<2064xf32, #tpu.memory_space<vmem>>, vector<16xf32>,
    %get3A_275 = arith.constant 128 : index
    %get3A_276 = tpu.vector_load %arg5[%get3A_275] {strides = array<i32>} : memref<2064xf32, #tpu.memory_space<vmem>>, vector<16xf32>,
    %add3A_277 = arith.addf %get3A_274, %get3A_276 : vector<16xf32>
    %get3A_278 = arith.constant 256 : index
    %get3A_279 = tpu.vector_load %arg5[%get3A_278] {strides = array<i32>} : memref<2064xf32, #tpu.memory_space<vmem>>, vector<16xf32>,
    %add3A_280 = arith.addf %add3A_277, %get3A_279 : vector<16xf32>
    %get3A_281 = arith.constant 384 : index
    %get3A_282 = tpu.vector_load %arg5[%get3A_281] {strides = array<i32>} : memref<2064xf32, #tpu.memory_space<vmem>>, vector<16xf32>,
    %add3A_283 = arith.addf %add3A_280, %get3A_282 : vector<16xf32>
    %get3A_284 = arith.constant 512 : index
    %get3A_285 = tpu.vector_load %arg5[%get3A_284] {strides = array<i32>} : memref<2064xf32, #tpu.memory_space<vmem>>, vector<16xf32>,
    %add3A_286 = arith.addf %add3A_283, %get3A_285 : vector<16xf32>
    %get3A_287 = arith.constant 640 : index
    %get3A_288 = tpu.vector_load %arg5[%get3A_287] {strides = array<i32>} : memref<2064xf32, #tpu.memory_space<vmem>>, vector<16xf32>,
    %add3A_289 = arith.addf %add3A_286, %get3A_288 : vector<16xf32>
    %get3A_290 = arith.constant 768 : index
    %get3A_291 = tpu.vector_load %arg5[%get3A_290] {strides = array<i32>} : memref<2064xf32, #tpu.memory_space<vmem>>, vector<16xf32>,
    %add3A_292 = arith.addf %add3A_289, %get3A_291 : vector<16xf32>
    %get3A_293 = arith.constant 896 : index
    %get3A_294 = tpu.vector_load %arg5[%get3A_293] {strides = array<i32>} : memref<2064xf32, #tpu.memory_space<vmem>>, vector<16xf32>,
    %add3A_295 = arith.addf %add3A_292, %get3A_294 : vector<16xf32>
    %get3A_296 = arith.constant 1024 : index
    %get3A_297 = tpu.vector_load %arg5[%get3A_296] {strides = array<i32>} : memref<2064xf32, #tpu.memory_space<vmem>>, vector<16xf32>,
    %add3A_298 = arith.addf %add3A_295, %get3A_297 : vector<16xf32>
    %get3A_299 = arith.constant 1152 : index
    %get3A_300 = tpu.vector_load %arg5[%get3A_299] {strides = array<i32>} : memref<2064xf32, #tpu.memory_space<vmem>>, vector<16xf32>,
    %add3A_301 = arith.addf %add3A_298, %get3A_300 : vector<16xf32>
    %get3A_302 = arith.constant 1280 : index
    %get3A_303 = tpu.vector_load %arg5[%get3A_302] {strides = array<i32>} : memref<2064xf32, #tpu.memory_space<vmem>>, vector<16xf32>,
    %add3A_304 = arith.addf %add3A_301, %get3A_303 : vector<16xf32>
    %get3A_305 = arith.constant 1408 : index
    %get3A_306 = tpu.vector_load %arg5[%get3A_305] {strides = array<i32>} : memref<2064xf32, #tpu.memory_space<vmem>>, vector<16xf32>,
    %add3A_307 = arith.addf %add3A_304, %get3A_306 : vector<16xf32>
    %get3A_308 = arith.constant 1536 : index
    %get3A_309 = tpu.vector_load %arg5[%get3A_308] {strides = array<i32>} : memref<2064xf32, #tpu.memory_space<vmem>>, vector<16xf32>,
    %add3A_310 = arith.addf %add3A_307, %get3A_309 : vector<16xf32>
    %get3A_311 = arith.constant 1664 : index
    %get3A_312 = tpu.vector_load %arg5[%get3A_311] {strides = array<i32>} : memref<2064xf32, #tpu.memory_space<vmem>>, vector<16xf32>,
    %add3A_313 = arith.addf %add3A_310, %get3A_312 : vector<16xf32>
    %get3A_314 = arith.constant 1792 : index
    %get3A_315 = tpu.vector_load %arg5[%get3A_314] {strides = array<i32>} : memref<2064xf32, #tpu.memory_space<vmem>>, vector<16xf32>,
    %add3A_316 = arith.addf %add3A_313, %get3A_315 : vector<16xf32>
    %get3A_317 = arith.constant 1920 : index
    %get3A_318 = tpu.vector_load %arg5[%get3A_317] {strides = array<i32>} : memref<2064xf32, #tpu.memory_space<vmem>>, vector<16xf32>,
    %add3A_319 = arith.addf %add3A_316, %get3A_318 : vector<16xf32>
    %swap3A_320 = arith.constant 0 : i32
    %swap3A_321 = arith.index_cast %swap3A_320 : i32 to index
    %swap3A_322 = arith.constant 0 : index
    %swap3A_323 = tpu.vector_load %arg6[%swap3A_321, %swap3A_322] {strides = array<i32>} : memref<8x16xf32, #tpu.memory_space<vmem>>, vector<16xf32>,
    tpu.vector_store %arg6[%swap3A_321, %swap3A_322], %add3A_319 {strides = array<i32>} : memref<8x16xf32, #tpu.memory_space<vmem>>, vector<16xf32>,
    %get3A_324 = arith.constant 16 : index
    %get3A_325 = tpu.vector_load %arg5[%get3A_324] {strides = array<i32>} : memref<2064xf32, #tpu.memory_space<vmem>>, vector<16xf32>,
    %get3A_326 = arith.constant 144 : index
    %get3A_327 = tpu.vector_load %arg5[%get3A_326] {strides = array<i32>} : memref<2064xf32, #tpu.memory_space<vmem>>, vector<16xf32>,
    %add3A_328 = arith.addf %get3A_325, %get3A_327 : vector<16xf32>
    %get3A_329 = arith.constant 272 : index
    %get3A_330 = tpu.vector_load %arg5[%get3A_329] {strides = array<i32>} : memref<2064xf32, #tpu.memory_space<vmem>>, vector<16xf32>,
    %add3A_331 = arith.addf %add3A_328, %get3A_330 : vector<16xf32>
    %get3A_332 = arith.constant 400 : index
    %get3A_333 = tpu.vector_load %arg5[%get3A_332] {strides = array<i32>} : memref<2064xf32, #tpu.memory_space<vmem>>, vector<16xf32>,
    %add3A_334 = arith.addf %add3A_331, %get3A_333 : vector<16xf32>
    %get3A_335 = arith.constant 528 : index
    %get3A_336 = tpu.vector_load %arg5[%get3A_335] {strides = array<i32>} : memref<2064xf32, #tpu.memory_space<vmem>>, vector<16xf32>,
    %add3A_337 = arith.addf %add3A_334, %get3A_336 : vector<16xf32>
    %get3A_338 = arith.constant 656 : index
    %get3A_339 = tpu.vector_load %arg5[%get3A_338] {strides = array<i32>} : memref<2064xf32, #tpu.memory_space<vmem>>, vector<16xf32>,
    %add3A_340 = arith.addf %add3A_337, %get3A_339 : vector<16xf32>
    %get3A_341 = arith.constant 784 : index
    %get3A_342 = tpu.vector_load %arg5[%get3A_341] {strides = array<i32>} : memref<2064xf32, #tpu.memory_space<vmem>>, vector<16xf32>,
    %add3A_343 = arith.addf %add3A_340, %get3A_342 : vector<16xf32>
    %get3A_344 = arith.constant 912 : index
    %get3A_345 = tpu.vector_load %arg5[%get3A_344] {strides = array<i32>} : memref<2064xf32, #tpu.memory_space<vmem>>, vector<16xf32>,
    %add3A_346 = arith.addf %add3A_343, %get3A_345 : vector<16xf32>
    %get3A_347 = arith.constant 1040 : index
    %get3A_348 = tpu.vector_load %arg5[%get3A_347] {strides = array<i32>} : memref<2064xf32, #tpu.memory_space<vmem>>, vector<16xf32>,
    %add3A_349 = arith.addf %add3A_346, %get3A_348 : vector<16xf32>
    %get3A_350 = arith.constant 1168 : index
    %get3A_351 = tpu.vector_load %arg5[%get3A_350] {strides = array<i32>} : memref<2064xf32, #tpu.memory_space<vmem>>, vector<16xf32>,
    %add3A_352 = arith.addf %add3A_349, %get3A_351 : vector<16xf32>
    %get3A_353 = arith.constant 1296 : index
    %get3A_354 = tpu.vector_load %arg5[%get3A_353] {strides = array<i32>} : memref<2064xf32, #tpu.memory_space<vmem>>, vector<16xf32>,
    %add3A_355 = arith.addf %add3A_352, %get3A_354 : vector<16xf32>
    %get3A_356 = arith.constant 1424 : index
    %get3A_357 = tpu.vector_load %arg5[%get3A_356] {strides = array<i32>} : memref<2064xf32, #tpu.memory_space<vmem>>, vector<16xf32>,
    %add3A_358 = arith.addf %add3A_355, %get3A_357 : vector<16xf32>
    %get3A_359 = arith.constant 1552 : index
    %get3A_360 = tpu.vector_load %arg5[%get3A_359] {strides = array<i32>} : memref<2064xf32, #tpu.memory_space<vmem>>, vector<16xf32>,
    %add3A_361 = arith.addf %add3A_358, %get3A_360 : vector<16xf32>
    %get3A_362 = arith.constant 1680 : index
    %get3A_363 = tpu.vector_load %arg5[%get3A_362] {strides = array<i32>} : memref<2064xf32, #tpu.memory_space<vmem>>, vector<16xf32>,
    %add3A_364 = arith.addf %add3A_361, %get3A_363 : vector<16xf32>
    %get3A_365 = arith.constant 1808 : index
    %get3A_366 = tpu.vector_load %arg5[%get3A_365] {strides = array<i32>} : memref<2064xf32, #tpu.memory_space<vmem>>, vector<16xf32>,
    %add3A_367 = arith.addf %add3A_364, %get3A_366 : vector<16xf32>
    %get3A_368 = arith.constant 1936 : index
    %get3A_369 = tpu.vector_load %arg5[%get3A_368] {strides = array<i32>} : memref<2064xf32, #tpu.memory_space<vmem>>, vector<16xf32>,
    %add3A_370 = arith.addf %add3A_367, %get3A_369 : vector<16xf32>
    %swap3A_371 = arith.constant 1 : i32
    %swap3A_372 = arith.index_cast %swap3A_371 : i32 to index
    %swap3A_373 = arith.constant 0 : index
    %swap3A_374 = tpu.vector_load %arg6[%swap3A_372, %swap3A_373] {strides = array<i32>} : memref<8x16xf32, #tpu.memory_space<vmem>>, vector<16xf32>,
    tpu.vector_store %arg6[%swap3A_372, %swap3A_373], %add3A_370 {strides = array<i32>} : memref<8x16xf32, #tpu.memory_space<vmem>>, vector<16xf32>,
    %get3A_375 = arith.constant 32 : index
    %get3A_376 = tpu.vector_load %arg5[%get3A_375] {strides = array<i32>} : memref<2064xf32, #tpu.memory_space<vmem>>, vector<16xf32>,
    %get3A_377 = arith.constant 160 : index
    %get3A_378 = tpu.vector_load %arg5[%get3A_377] {strides = array<i32>} : memref<2064xf32, #tpu.memory_space<vmem>>, vector<16xf32>,
    %add3A_379 = arith.addf %get3A_376, %get3A_378 : vector<16xf32>
    %get3A_380 = arith.constant 288 : index
    %get3A_381 = tpu.vector_load %arg5[%get3A_380] {strides = array<i32>} : memref<2064xf32, #tpu.memory_space<vmem>>, vector<16xf32>,
    %add3A_382 = arith.addf %add3A_379, %get3A_381 : vector<16xf32>
    %get3A_383 = arith.constant 416 : index
    %get3A_384 = tpu.vector_load %arg5[%get3A_383] {strides = array<i32>} : memref<2064xf32, #tpu.memory_space<vmem>>, vector<16xf32>,
    %add3A_385 = arith.addf %add3A_382, %get3A_384 : vector<16xf32>
    %get3A_386 = arith.constant 544 : index
    %get3A_387 = tpu.vector_load %arg5[%get3A_386] {strides = array<i32>} : memref<2064xf32, #tpu.memory_space<vmem>>, vector<16xf32>,
    %add3A_388 = arith.addf %add3A_385, %get3A_387 : vector<16xf32>
    %get3A_389 = arith.constant 672 : index
    %get3A_390 = tpu.vector_load %arg5[%get3A_389] {strides = array<i32>} : memref<2064xf32, #tpu.memory_space<vmem>>, vector<16xf32>,
    %add3A_391 = arith.addf %add3A_388, %get3A_390 : vector<16xf32>
    %get3A_392 = arith.constant 800 : index
    %get3A_393 = tpu.vector_load %arg5[%get3A_392] {strides = array<i32>} : memref<2064xf32, #tpu.memory_space<vmem>>, vector<16xf32>,
    %add3A_394 = arith.addf %add3A_391, %get3A_393 : vector<16xf32>
    %get3A_395 = arith.constant 928 : index
    %get3A_396 = tpu.vector_load %arg5[%get3A_395] {strides = array<i32>} : memref<2064xf32, #tpu.memory_space<vmem>>, vector<16xf32>,
    %add3A_397 = arith.addf %add3A_394, %get3A_396 : vector<16xf32>
    %get3A_398 = arith.constant 1056 : index
    %get3A_399 = tpu.vector_load %arg5[%get3A_398] {strides = array<i32>} : memref<2064xf32, #tpu.memory_space<vmem>>, vector<16xf32>,
    %add3A_400 = arith.addf %add3A_397, %get3A_399 : vector<16xf32>
    %get3A_401 = arith.constant 1184 : index
    %get3A_402 = tpu.vector_load %arg5[%get3A_401] {strides = array<i32>} : memref<2064xf32, #tpu.memory_space<vmem>>, vector<16xf32>,
    %add3A_403 = arith.addf %add3A_400, %get3A_402 : vector<16xf32>
    %get3A_404 = arith.constant 1312 : index
    %get3A_405 = tpu.vector_load %arg5[%get3A_404] {strides = array<i32>} : memref<2064xf32, #tpu.memory_space<vmem>>, vector<16xf32>,
    %add3A_406 = arith.addf %add3A_403, %get3A_405 : vector<16xf32>
    %get3A_407 = arith.constant 1440 : index
    %get3A_408 = tpu.vector_load %arg5[%get3A_407] {strides = array<i32>} : memref<2064xf32, #tpu.memory_space<vmem>>, vector<16xf32>,
    %add3A_409 = arith.addf %add3A_406, %get3A_408 : vector<16xf32>
    %get3A_410 = arith.constant 1568 : index
    %get3A_411 = tpu.vector_load %arg5[%get3A_410] {strides = array<i32>} : memref<2064xf32, #tpu.memory_space<vmem>>, vector<16xf32>,
    %add3A_412 = arith.addf %add3A_409, %get3A_411 : vector<16xf32>
    %get3A_413 = arith.constant 1696 : index
    %get3A_414 = tpu.vector_load %arg5[%get3A_413] {strides = array<i32>} : memref<2064xf32, #tpu.memory_space<vmem>>, vector<16xf32>,
    %add3A_415 = arith.addf %add3A_412, %get3A_414 : vector<16xf32>
    %get3A_416 = arith.constant 1824 : index
    %get3A_417 = tpu.vector_load %arg5[%get3A_416] {strides = array<i32>} : memref<2064xf32, #tpu.memory_space<vmem>>, vector<16xf32>,
    %add3A_418 = arith.addf %add3A_415, %get3A_417 : vector<16xf32>
    %get3A_419 = arith.constant 1952 : index
    %get3A_420 = tpu.vector_load %arg5[%get3A_419] {strides = array<i32>} : memref<2064xf32, #tpu.memory_space<vmem>>, vector<16xf32>,
    %add3A_421 = arith.addf %add3A_418, %get3A_420 : vector<16xf32>
    %swap3A_422 = arith.constant 2 : i32
    %swap3A_423 = arith.index_cast %swap3A_422 : i32 to index
    %swap3A_424 = arith.constant 0 : index
    %swap3A_425 = tpu.vector_load %arg6[%swap3A_423, %swap3A_424] {strides = array<i32>} : memref<8x16xf32, #tpu.memory_space<vmem>>, vector<16xf32>,
    tpu.vector_store %arg6[%swap3A_423, %swap3A_424], %add3A_421 {strides = array<i32>} : memref<8x16xf32, #tpu.memory_space<vmem>>, vector<16xf32>,
    %get3A_426 = arith.constant 48 : index
    %get3A_427 = tpu.vector_load %arg5[%get3A_426] {strides = array<i32>} : memref<2064xf32, #tpu.memory_space<vmem>>, vector<16xf32>,
    %get3A_428 = arith.constant 176 : index
    %get3A_429 = tpu.vector_load %arg5[%get3A_428] {strides = array<i32>} : memref<2064xf32, #tpu.memory_space<vmem>>, vector<16xf32>,
    %add3A_430 = arith.addf %get3A_427, %get3A_429 : vector<16xf32>
    %get3A_431 = arith.constant 304 : index
    %get3A_432 = tpu.vector_load %arg5[%get3A_431] {strides = array<i32>} : memref<2064xf32, #tpu.memory_space<vmem>>, vector<16xf32>,
    %add3A_433 = arith.addf %add3A_430, %get3A_432 : vector<16xf32>
    %get3A_434 = arith.constant 432 : index
    %get3A_435 = tpu.vector_load %arg5[%get3A_434] {strides = array<i32>} : memref<2064xf32, #tpu.memory_space<vmem>>, vector<16xf32>,
    %add3A_436 = arith.addf %add3A_433, %get3A_435 : vector<16xf32>
    %get3A_437 = arith.constant 560 : index
    %get3A_438 = tpu.vector_load %arg5[%get3A_437] {strides = array<i32>} : memref<2064xf32, #tpu.memory_space<vmem>>, vector<16xf32>,
    %add3A_439 = arith.addf %add3A_436, %get3A_438 : vector<16xf32>
    %get3A_440 = arith.constant 688 : index
    %get3A_441 = tpu.vector_load %arg5[%get3A_440] {strides = array<i32>} : memref<2064xf32, #tpu.memory_space<vmem>>, vector<16xf32>,
    %add3A_442 = arith.addf %add3A_439, %get3A_441 : vector<16xf32>
    %get3A_443 = arith.constant 816 : index
    %get3A_444 = tpu.vector_load %arg5[%get3A_443] {strides = array<i32>} : memref<2064xf32, #tpu.memory_space<vmem>>, vector<16xf32>,
    %add3A_445 = arith.addf %add3A_442, %get3A_444 : vector<16xf32>
    %get3A_446 = arith.constant 944 : index
    %get3A_447 = tpu.vector_load %arg5[%get3A_446] {strides = array<i32>} : memref<2064xf32, #tpu.memory_space<vmem>>, vector<16xf32>,
    %add3A_448 = arith.addf %add3A_445, %get3A_447 : vector<16xf32>
    %get3A_449 = arith.constant 1072 : index
    %get3A_450 = tpu.vector_load %arg5[%get3A_449] {strides = array<i32>} : memref<2064xf32, #tpu.memory_space<vmem>>, vector<16xf32>,
    %add3A_451 = arith.addf %add3A_448, %get3A_450 : vector<16xf32>
    %get3A_452 = arith.constant 1200 : index
    %get3A_453 = tpu.vector_load %arg5[%get3A_452] {strides = array<i32>} : memref<2064xf32, #tpu.memory_space<vmem>>, vector<16xf32>,
    %add3A_454 = arith.addf %add3A_451, %get3A_453 : vector<16xf32>
    %get3A_455 = arith.constant 1328 : index
    %get3A_456 = tpu.vector_load %arg5[%get3A_455] {strides = array<i32>} : memref<2064xf32, #tpu.memory_space<vmem>>, vector<16xf32>,
    %add3A_457 = arith.addf %add3A_454, %get3A_456 : vector<16xf32>
    %get3A_458 = arith.constant 1456 : index
    %get3A_459 = tpu.vector_load %arg5[%get3A_458] {strides = array<i32>} : memref<2064xf32, #tpu.memory_space<vmem>>, vector<16xf32>,
    %add3A_460 = arith.addf %add3A_457, %get3A_459 : vector<16xf32>
    %get3A_461 = arith.constant 1584 : index
    %get3A_462 = tpu.vector_load %arg5[%get3A_461] {strides = array<i32>} : memref<2064xf32, #tpu.memory_space<vmem>>, vector<16xf32>,
    %add3A_463 = arith.addf %add3A_460, %get3A_462 : vector<16xf32>
    %get3A_464 = arith.constant 1712 : index
    %get3A_465 = tpu.vector_load %arg5[%get3A_464] {strides = array<i32>} : memref<2064xf32, #tpu.memory_space<vmem>>, vector<16xf32>,
    %add3A_466 = arith.addf %add3A_463, %get3A_465 : vector<16xf32>
    %get3A_467 = arith.constant 1840 : index
    %get3A_468 = tpu.vector_load %arg5[%get3A_467] {strides = array<i32>} : memref<2064xf32, #tpu.memory_space<vmem>>, vector<16xf32>,
    %add3A_469 = arith.addf %add3A_466, %get3A_468 : vector<16xf32>
    %get3A_470 = arith.constant 1968 : index
    %get3A_471 = tpu.vector_load %arg5[%get3A_470] {strides = array<i32>} : memref<2064xf32, #tpu.memory_space<vmem>>, vector<16xf32>,
    %add3A_472 = arith.addf %add3A_469, %get3A_471 : vector<16xf32>
    %swap3A_473 = arith.constant 3 : i32
    %swap3A_474 = arith.index_cast %swap3A_473 : i32 to index
    %swap3A_475 = arith.constant 0 : index
    %swap3A_476 = tpu.vector_load %arg6[%swap3A_474, %swap3A_475] {strides = array<i32>} : memref<8x16xf32, #tpu.memory_space<vmem>>, vector<16xf32>,
    tpu.vector_store %arg6[%swap3A_474, %swap3A_475], %add3A_472 {strides = array<i32>} : memref<8x16xf32, #tpu.memory_space<vmem>>, vector<16xf32>,
    %get3A_477 = arith.constant 64 : index
    %get3A_478 = tpu.vector_load %arg5[%get3A_477] {strides = array<i32>} : memref<2064xf32, #tpu.memory_space<vmem>>, vector<16xf32>,
    %get3A_479 = arith.constant 192 : index
    %get3A_480 = tpu.vector_load %arg5[%get3A_479] {strides = array<i32>} : memref<2064xf32, #tpu.memory_space<vmem>>, vector<16xf32>,
    %add3A_481 = arith.addf %get3A_478, %get3A_480 : vector<16xf32>
    %get3A_482 = arith.constant 320 : index
    %get3A_483 = tpu.vector_load %arg5[%get3A_482] {strides = array<i32>} : memref<2064xf32, #tpu.memory_space<vmem>>, vector<16xf32>,
    %add3A_484 = arith.addf %add3A_481, %get3A_483 : vector<16xf32>
    %get3A_485 = arith.constant 448 : index
    %get3A_486 = tpu.vector_load %arg5[%get3A_485] {strides = array<i32>} : memref<2064xf32, #tpu.memory_space<vmem>>, vector<16xf32>,
    %add3A_487 = arith.addf %add3A_484, %get3A_486 : vector<16xf32>
    %get3A_488 = arith.constant 576 : index
    %get3A_489 = tpu.vector_load %arg5[%get3A_488] {strides = array<i32>} : memref<2064xf32, #tpu.memory_space<vmem>>, vector<16xf32>,
    %add3A_490 = arith.addf %add3A_487, %get3A_489 : vector<16xf32>
    %get3A_491 = arith.constant 704 : index
    %get3A_492 = tpu.vector_load %arg5[%get3A_491] {strides = array<i32>} : memref<2064xf32, #tpu.memory_space<vmem>>, vector<16xf32>,
    %add3A_493 = arith.addf %add3A_490, %get3A_492 : vector<16xf32>
    %get3A_494 = arith.constant 832 : index
    %get3A_495 = tpu.vector_load %arg5[%get3A_494] {strides = array<i32>} : memref<2064xf32, #tpu.memory_space<vmem>>, vector<16xf32>,
    %add3A_496 = arith.addf %add3A_493, %get3A_495 : vector<16xf32>
    %get3A_497 = arith.constant 960 : index
    %get3A_498 = tpu.vector_load %arg5[%get3A_497] {strides = array<i32>} : memref<2064xf32, #tpu.memory_space<vmem>>, vector<16xf32>,
    %add3A_499 = arith.addf %add3A_496, %get3A_498 : vector<16xf32>
    %get3A_500 = arith.constant 1088 : index
    %get3A_501 = tpu.vector_load %arg5[%get3A_500] {strides = array<i32>} : memref<2064xf32, #tpu.memory_space<vmem>>, vector<16xf32>,
    %add3A_502 = arith.addf %add3A_499, %get3A_501 : vector<16xf32>
    %get3A_503 = arith.constant 1216 : index
    %get3A_504 = tpu.vector_load %arg5[%get3A_503] {strides = array<i32>} : memref<2064xf32, #tpu.memory_space<vmem>>, vector<16xf32>,
    %add3A_505 = arith.addf %add3A_502, %get3A_504 : vector<16xf32>
    %get3A_506 = arith.constant 1344 : index
    %get3A_507 = tpu.vector_load %arg5[%get3A_506] {strides = array<i32>} : memref<2064xf32, #tpu.memory_space<vmem>>, vector<16xf32>,
    %add3A_508 = arith.addf %add3A_505, %get3A_507 : vector<16xf32>
    %get3A_509 = arith.constant 1472 : index
    %get3A_510 = tpu.vector_load %arg5[%get3A_509] {strides = array<i32>} : memref<2064xf32, #tpu.memory_space<vmem>>, vector<16xf32>,
    %add3A_511 = arith.addf %add3A_508, %get3A_510 : vector<16xf32>
    %get3A_512 = arith.constant 1600 : index
    %get3A_513 = tpu.vector_load %arg5[%get3A_512] {strides = array<i32>} : memref<2064xf32, #tpu.memory_space<vmem>>, vector<16xf32>,
    %add3A_514 = arith.addf %add3A_511, %get3A_513 : vector<16xf32>
    %get3A_515 = arith.constant 1728 : index
    %get3A_516 = tpu.vector_load %arg5[%get3A_515] {strides = array<i32>} : memref<2064xf32, #tpu.memory_space<vmem>>, vector<16xf32>,
    %add3A_517 = arith.addf %add3A_514, %get3A_516 : vector<16xf32>
    %get3A_518 = arith.constant 1856 : index
    %get3A_519 = tpu.vector_load %arg5[%get3A_518] {strides = array<i32>} : memref<2064xf32, #tpu.memory_space<vmem>>, vector<16xf32>,
    %add3A_520 = arith.addf %add3A_517, %get3A_519 : vector<16xf32>
    %get3A_521 = arith.constant 1984 : index
    %get3A_522 = tpu.vector_load %arg5[%get3A_521] {strides = array<i32>} : memref<2064xf32, #tpu.memory_space<vmem>>, vector<16xf32>,
    %add3A_523 = arith.addf %add3A_520, %get3A_522 : vector<16xf32>
    %swap3A_524 = arith.constant 4 : i32
    %swap3A_525 = arith.index_cast %swap3A_524 : i32 to index
    %swap3A_526 = arith.constant 0 : index
    %swap3A_527 = tpu.vector_load %arg6[%swap3A_525, %swap3A_526] {strides = array<i32>} : memref<8x16xf32, #tpu.memory_space<vmem>>, vector<16xf32>,
    tpu.vector_store %arg6[%swap3A_525, %swap3A_526], %add3A_523 {strides = array<i32>} : memref<8x16xf32, #tpu.memory_space<vmem>>, vector<16xf32>,
    %get3A_528 = arith.constant 80 : index
    %get3A_529 = tpu.vector_load %arg5[%get3A_528] {strides = array<i32>} : memref<2064xf32, #tpu.memory_space<vmem>>, vector<16xf32>,
    %get3A_530 = arith.constant 208 : index
    %get3A_531 = tpu.vector_load %arg5[%get3A_530] {strides = array<i32>} : memref<2064xf32, #tpu.memory_space<vmem>>, vector<16xf32>,
    %add3A_532 = arith.addf %get3A_529, %get3A_531 : vector<16xf32>
    %get3A_533 = arith.constant 336 : index
    %get3A_534 = tpu.vector_load %arg5[%get3A_533] {strides = array<i32>} : memref<2064xf32, #tpu.memory_space<vmem>>, vector<16xf32>,
    %add3A_535 = arith.addf %add3A_532, %get3A_534 : vector<16xf32>
    %get3A_536 = arith.constant 464 : index
    %get3A_537 = tpu.vector_load %arg5[%get3A_536] {strides = array<i32>} : memref<2064xf32, #tpu.memory_space<vmem>>, vector<16xf32>,
    %add3A_538 = arith.addf %add3A_535, %get3A_537 : vector<16xf32>
    %get3A_539 = arith.constant 592 : index
    %get3A_540 = tpu.vector_load %arg5[%get3A_539] {strides = array<i32>} : memref<2064xf32, #tpu.memory_space<vmem>>, vector<16xf32>,
    %add3A_541 = arith.addf %add3A_538, %get3A_540 : vector<16xf32>
    %get3A_542 = arith.constant 720 : index
    %get3A_543 = tpu.vector_load %arg5[%get3A_542] {strides = array<i32>} : memref<2064xf32, #tpu.memory_space<vmem>>, vector<16xf32>,
    %add3A_544 = arith.addf %add3A_541, %get3A_543 : vector<16xf32>
    %get3A_545 = arith.constant 848 : index
    %get3A_546 = tpu.vector_load %arg5[%get3A_545] {strides = array<i32>} : memref<2064xf32, #tpu.memory_space<vmem>>, vector<16xf32>,
    %add3A_547 = arith.addf %add3A_544, %get3A_546 : vector<16xf32>
    %get3A_548 = arith.constant 976 : index
    %get3A_549 = tpu.vector_load %arg5[%get3A_548] {strides = array<i32>} : memref<2064xf32, #tpu.memory_space<vmem>>, vector<16xf32>,
    %add3A_550 = arith.addf %add3A_547, %get3A_549 : vector<16xf32>
    %get3A_551 = arith.constant 1104 : index
    %get3A_552 = tpu.vector_load %arg5[%get3A_551] {strides = array<i32>} : memref<2064xf32, #tpu.memory_space<vmem>>, vector<16xf32>,
    %add3A_553 = arith.addf %add3A_550, %get3A_552 : vector<16xf32>
    %get3A_554 = arith.constant 1232 : index
    %get3A_555 = tpu.vector_load %arg5[%get3A_554] {strides = array<i32>} : memref<2064xf32, #tpu.memory_space<vmem>>, vector<16xf32>,
    %add3A_556 = arith.addf %add3A_553, %get3A_555 : vector<16xf32>
    %get3A_557 = arith.constant 1360 : index
    %get3A_558 = tpu.vector_load %arg5[%get3A_557] {strides = array<i32>} : memref<2064xf32, #tpu.memory_space<vmem>>, vector<16xf32>,
    %add3A_559 = arith.addf %add3A_556, %get3A_558 : vector<16xf32>
    %get3A_560 = arith.constant 1488 : index
    %get3A_561 = tpu.vector_load %arg5[%get3A_560] {strides = array<i32>} : memref<2064xf32, #tpu.memory_space<vmem>>, vector<16xf32>,
    %add3A_562 = arith.addf %add3A_559, %get3A_561 : vector<16xf32>
    %get3A_563 = arith.constant 1616 : index
    %get3A_564 = tpu.vector_load %arg5[%get3A_563] {strides = array<i32>} : memref<2064xf32, #tpu.memory_space<vmem>>, vector<16xf32>,
    %add3A_565 = arith.addf %add3A_562, %get3A_564 : vector<16xf32>
    %get3A_566 = arith.constant 1744 : index
    %get3A_567 = tpu.vector_load %arg5[%get3A_566] {strides = array<i32>} : memref<2064xf32, #tpu.memory_space<vmem>>, vector<16xf32>,
    %add3A_568 = arith.addf %add3A_565, %get3A_567 : vector<16xf32>
    %get3A_569 = arith.constant 1872 : index
    %get3A_570 = tpu.vector_load %arg5[%get3A_569] {strides = array<i32>} : memref<2064xf32, #tpu.memory_space<vmem>>, vector<16xf32>,
    %add3A_571 = arith.addf %add3A_568, %get3A_570 : vector<16xf32>
    %get3A_572 = arith.constant 2000 : index
    %get3A_573 = tpu.vector_load %arg5[%get3A_572] {strides = array<i32>} : memref<2064xf32, #tpu.memory_space<vmem>>, vector<16xf32>,
    %add3A_574 = arith.addf %add3A_571, %get3A_573 : vector<16xf32>
    %swap3A_575 = arith.constant 5 : i32
    %swap3A_576 = arith.index_cast %swap3A_575 : i32 to index
    %swap3A_577 = arith.constant 0 : index
    %swap3A_578 = tpu.vector_load %arg6[%swap3A_576, %swap3A_577] {strides = array<i32>} : memref<8x16xf32, #tpu.memory_space<vmem>>, vector<16xf32>,
    tpu.vector_store %arg6[%swap3A_576, %swap3A_577], %add3A_574 {strides = array<i32>} : memref<8x16xf32, #tpu.memory_space<vmem>>, vector<16xf32>,
    %get3A_579 = arith.constant 96 : index
    %get3A_580 = tpu.vector_load %arg5[%get3A_579] {strides = array<i32>} : memref<2064xf32, #tpu.memory_space<vmem>>, vector<16xf32>,
    %get3A_581 = arith.constant 224 : index
    %get3A_582 = tpu.vector_load %arg5[%get3A_581] {strides = array<i32>} : memref<2064xf32, #tpu.memory_space<vmem>>, vector<16xf32>,
    %add3A_583 = arith.addf %get3A_580, %get3A_582 : vector<16xf32>
    %get3A_584 = arith.constant 352 : index
    %get3A_585 = tpu.vector_load %arg5[%get3A_584] {strides = array<i32>} : memref<2064xf32, #tpu.memory_space<vmem>>, vector<16xf32>,
    %add3A_586 = arith.addf %add3A_583, %get3A_585 : vector<16xf32>
    %get3A_587 = arith.constant 480 : index
    %get3A_588 = tpu.vector_load %arg5[%get3A_587] {strides = array<i32>} : memref<2064xf32, #tpu.memory_space<vmem>>, vector<16xf32>,
    %add3A_589 = arith.addf %add3A_586, %get3A_588 : vector<16xf32>
    %get3A_590 = arith.constant 608 : index
    %get3A_591 = tpu.vector_load %arg5[%get3A_590] {strides = array<i32>} : memref<2064xf32, #tpu.memory_space<vmem>>, vector<16xf32>,
    %add3A_592 = arith.addf %add3A_589, %get3A_591 : vector<16xf32>
    %get3A_593 = arith.constant 736 : index
    %get3A_594 = tpu.vector_load %arg5[%get3A_593] {strides = array<i32>} : memref<2064xf32, #tpu.memory_space<vmem>>, vector<16xf32>,
    %add3A_595 = arith.addf %add3A_592, %get3A_594 : vector<16xf32>
    %get3A_596 = arith.constant 864 : index
    %get3A_597 = tpu.vector_load %arg5[%get3A_596] {strides = array<i32>} : memref<2064xf32, #tpu.memory_space<vmem>>, vector<16xf32>,
    %add3A_598 = arith.addf %add3A_595, %get3A_597 : vector<16xf32>
    %get3A_599 = arith.constant 992 : index
    %get3A_600 = tpu.vector_load %arg5[%get3A_599] {strides = array<i32>} : memref<2064xf32, #tpu.memory_space<vmem>>, vector<16xf32>,
    %add3A_601 = arith.addf %add3A_598, %get3A_600 : vector<16xf32>
    %get3A_602 = arith.constant 1120 : index
    %get3A_603 = tpu.vector_load %arg5[%get3A_602] {strides = array<i32>} : memref<2064xf32, #tpu.memory_space<vmem>>, vector<16xf32>,
    %add3A_604 = arith.addf %add3A_601, %get3A_603 : vector<16xf32>
    %get3A_605 = arith.constant 1248 : index
    %get3A_606 = tpu.vector_load %arg5[%get3A_605] {strides = array<i32>} : memref<2064xf32, #tpu.memory_space<vmem>>, vector<16xf32>,
    %add3A_607 = arith.addf %add3A_604, %get3A_606 : vector<16xf32>
    %get3A_608 = arith.constant 1376 : index
    %get3A_609 = tpu.vector_load %arg5[%get3A_608] {strides = array<i32>} : memref<2064xf32, #tpu.memory_space<vmem>>, vector<16xf32>,
    %add3A_610 = arith.addf %add3A_607, %get3A_609 : vector<16xf32>
    %get3A_611 = arith.constant 1504 : index
    %get3A_612 = tpu.vector_load %arg5[%get3A_611] {strides = array<i32>} : memref<2064xf32, #tpu.memory_space<vmem>>, vector<16xf32>,
    %add3A_613 = arith.addf %add3A_610, %get3A_612 : vector<16xf32>
    %get3A_614 = arith.constant 1632 : index
    %get3A_615 = tpu.vector_load %arg5[%get3A_614] {strides = array<i32>} : memref<2064xf32, #tpu.memory_space<vmem>>, vector<16xf32>,
    %add3A_616 = arith.addf %add3A_613, %get3A_615 : vector<16xf32>
    %get3A_617 = arith.constant 1760 : index
    %get3A_618 = tpu.vector_load %arg5[%get3A_617] {strides = array<i32>} : memref<2064xf32, #tpu.memory_space<vmem>>, vector<16xf32>,
    %add3A_619 = arith.addf %add3A_616, %get3A_618 : vector<16xf32>
    %get3A_620 = arith.constant 1888 : index
    %get3A_621 = tpu.vector_load %arg5[%get3A_620] {strides = array<i32>} : memref<2064xf32, #tpu.memory_space<vmem>>, vector<16xf32>,
    %add3A_622 = arith.addf %add3A_619, %get3A_621 : vector<16xf32>
    %get3A_623 = arith.constant 2016 : index
    %get3A_624 = tpu.vector_load %arg5[%get3A_623] {strides = array<i32>} : memref<2064xf32, #tpu.memory_space<vmem>>, vector<16xf32>,
    %add3A_625 = arith.addf %add3A_622, %get3A_624 : vector<16xf32>
    %swap3A_626 = arith.constant 6 : i32
    %swap3A_627 = arith.index_cast %swap3A_626 : i32 to index
    %swap3A_628 = arith.constant 0 : index
    %swap3A_629 = tpu.vector_load %arg6[%swap3A_627, %swap3A_628] {strides = array<i32>} : memref<8x16xf32, #tpu.memory_space<vmem>>, vector<16xf32>,
    tpu.vector_store %arg6[%swap3A_627, %swap3A_628], %add3A_625 {strides = array<i32>} : memref<8x16xf32, #tpu.memory_space<vmem>>, vector<16xf32>,
    %get3A_630 = arith.constant 112 : index
    %get3A_631 = tpu.vector_load %arg5[%get3A_630] {strides = array<i32>} : memref<2064xf32, #tpu.memory_space<vmem>>, vector<16xf32>,
    %get3A_632 = arith.constant 240 : index
    %get3A_633 = tpu.vector_load %arg5[%get3A_632] {strides = array<i32>} : memref<2064xf32, #tpu.memory_space<vmem>>, vector<16xf32>,
    %add3A_634 = arith.addf %get3A_631, %get3A_633 : vector<16xf32>
    %get3A_635 = arith.constant 368 : index
    %get3A_636 = tpu.vector_load %arg5[%get3A_635] {strides = array<i32>} : memref<2064xf32, #tpu.memory_space<vmem>>, vector<16xf32>,
    %add3A_637 = arith.addf %add3A_634, %get3A_636 : vector<16xf32>
    %get3A_638 = arith.constant 496 : index
    %get3A_639 = tpu.vector_load %arg5[%get3A_638] {strides = array<i32>} : memref<2064xf32, #tpu.memory_space<vmem>>, vector<16xf32>,
    %add3A_640 = arith.addf %add3A_637, %get3A_639 : vector<16xf32>
    %get3A_641 = arith.constant 624 : index
    %get3A_642 = tpu.vector_load %arg5[%get3A_641] {strides = array<i32>} : memref<2064xf32, #tpu.memory_space<vmem>>, vector<16xf32>,
    %add3A_643 = arith.addf %add3A_640, %get3A_642 : vector<16xf32>
    %get3A_644 = arith.constant 752 : index
    %get3A_645 = tpu.vector_load %arg5[%get3A_644] {strides = array<i32>} : memref<2064xf32, #tpu.memory_space<vmem>>, vector<16xf32>,
    %add3A_646 = arith.addf %add3A_643, %get3A_645 : vector<16xf32>
    %get3A_647 = arith.constant 880 : index
    %get3A_648 = tpu.vector_load %arg5[%get3A_647] {strides = array<i32>} : memref<2064xf32, #tpu.memory_space<vmem>>, vector<16xf32>,
    %add3A_649 = arith.addf %add3A_646, %get3A_648 : vector<16xf32>
    %get3A_650 = arith.constant 1008 : index
    %get3A_651 = tpu.vector_load %arg5[%get3A_650] {strides = array<i32>} : memref<2064xf32, #tpu.memory_space<vmem>>, vector<16xf32>,
    %add3A_652 = arith.addf %add3A_649, %get3A_651 : vector<16xf32>
    %get3A_653 = arith.constant 1136 : index
    %get3A_654 = tpu.vector_load %arg5[%get3A_653] {strides = array<i32>} : memref<2064xf32, #tpu.memory_space<vmem>>, vector<16xf32>,
    %add3A_655 = arith.addf %add3A_652, %get3A_654 : vector<16xf32>
    %get3A_656 = arith.constant 1264 : index
    %get3A_657 = tpu.vector_load %arg5[%get3A_656] {strides = array<i32>} : memref<2064xf32, #tpu.memory_space<vmem>>, vector<16xf32>,
    %add3A_658 = arith.addf %add3A_655, %get3A_657 : vector<16xf32>
    %get3A_659 = arith.constant 1392 : index
    %get3A_660 = tpu.vector_load %arg5[%get3A_659] {strides = array<i32>} : memref<2064xf32, #tpu.memory_space<vmem>>, vector<16xf32>,
    %add3A_661 = arith.addf %add3A_658, %get3A_660 : vector<16xf32>
    %get3A_662 = arith.constant 1520 : index
    %get3A_663 = tpu.vector_load %arg5[%get3A_662] {strides = array<i32>} : memref<2064xf32, #tpu.memory_space<vmem>>, vector<16xf32>,
    %add3A_664 = arith.addf %add3A_661, %get3A_663 : vector<16xf32>
    %get3A_665 = arith.constant 1648 : index
    %get3A_666 = tpu.vector_load %arg5[%get3A_665] {strides = array<i32>} : memref<2064xf32, #tpu.memory_space<vmem>>, vector<16xf32>,
    %add3A_667 = arith.addf %add3A_664, %get3A_666 : vector<16xf32>
    %get3A_668 = arith.constant 1776 : index
    %get3A_669 = tpu.vector_load %arg5[%get3A_668] {strides = array<i32>} : memref<2064xf32, #tpu.memory_space<vmem>>, vector<16xf32>,
    %add3A_670 = arith.addf %add3A_667, %get3A_669 : vector<16xf32>
    %get3A_671 = arith.constant 1904 : index
    %get3A_672 = tpu.vector_load %arg5[%get3A_671] {strides = array<i32>} : memref<2064xf32, #tpu.memory_space<vmem>>, vector<16xf32>,
    %add3A_673 = arith.addf %add3A_670, %get3A_672 : vector<16xf32>
    %get3A_674 = arith.constant 2032 : index
    %get3A_675 = tpu.vector_load %arg5[%get3A_674] {strides = array<i32>} : memref<2064xf32, #tpu.memory_space<vmem>>, vector<16xf32>,
    %add3A_676 = arith.addf %add3A_673, %get3A_675 : vector<16xf32>
    %swap3A_677 = arith.constant 7 : i32
    %swap3A_678 = arith.index_cast %swap3A_677 : i32 to index
    %swap3A_679 = arith.constant 0 : index
    %swap3A_680 = tpu.vector_load %arg6[%swap3A_678, %swap3A_679] {strides = array<i32>} : memref<8x16xf32, #tpu.memory_space<vmem>>, vector<16xf32>,
    tpu.vector_store %arg6[%swap3A_678, %swap3A_679], %add3A_676 {strides = array<i32>} : memref<8x16xf32, #tpu.memory_space<vmem>>, vector<16xf32>,
    "tpu.region"() ({
      %run_scoped3A = tpu.sem_alloc : memref<!tpu.dma_semaphore, #tpu.memory_space<semaphore_mem>>
      %dma_start3A_683 = arith.constant 0 : i32
      %dma_start3A_684 = arith.constant 0 : i32
      %dma_start3A_685 = tpu.memref_slice %arg8[%add3A, %dma_start3A_683, %dma_start3A_684] : memref<32x8x16xf32, #tpu.memory_space<hbm>> -> memref<1x8x16xf32, #tpu.memory_space<hbm>>
      %dma_start3A_686 = tpu.memref_squeeze %dma_start3A_685 : memref<1x8x16xf32, #tpu.memory_space<hbm>> -> memref<8x16xf32, #tpu.memory_space<hbm>>
      %dma_start3A_687 = arith.constant 0 : i32
      %dma_start3A_688 = arith.constant 0 : i32
      %dma_start3A_689 = tpu.memref_slice %arg8[%add3A, %dma_start3A_687, %dma_start3A_688] : memref<32x8x16xf32, #tpu.memory_space<hbm>> -> memref<1x8x16xf32, #tpu.memory_space<hbm>>
      %dma_start3A_690 = tpu.memref_squeeze %dma_start3A_689 : memref<1x8x16xf32, #tpu.memory_space<hbm>> -> memref<8x16xf32, #tpu.memory_space<hbm>>
      tpu.enqueue_dma source(%arg6 : memref<8x16xf32, #tpu.memory_space<vmem>>) target(%dma_start3A_690 : memref<8x16xf32, #tpu.memory_space<hbm>>) target_semaphore(%run_scoped3A : memref<!tpu.dma_semaphore, #tpu.memory_space<semaphore_mem>>)
      %dma_wait3A_691 = arith.constant 0 : i32
      %dma_wait3A_692 = arith.constant 0 : i32
      %dma_wait3A_693 = tpu.memref_slice %arg8[%add3A, %dma_wait3A_691, %dma_wait3A_692] : memref<32x8x16xf32, #tpu.memory_space<hbm>> -> memref<1x8x16xf32, #tpu.memory_space<hbm>>
      %dma_wait3A_694 = tpu.memref_squeeze %dma_wait3A_693 : memref<1x8x16xf32, #tpu.memory_space<hbm>> -> memref<8x16xf32, #tpu.memory_space<hbm>>
      %dma_wait3A_695 = arith.constant 0 : i32
      %dma_wait3A_696 = arith.constant 0 : i32
      %dma_wait3A_697 = tpu.memref_slice %arg8[%add3A, %dma_wait3A_695, %dma_wait3A_696] : memref<32x8x16xf32, #tpu.memory_space<hbm>> -> memref<1x8x16xf32, #tpu.memory_space<hbm>>
      %dma_wait3A_698 = tpu.memref_squeeze %dma_wait3A_697 : memref<1x8x16xf32, #tpu.memory_space<hbm>> -> memref<8x16xf32, #tpu.memory_space<hbm>>
      tpu.wait_dma2 semaphore(%run_scoped3A : memref<!tpu.dma_semaphore, #tpu.memory_space<semaphore_mem>>) src(%arg6 : memref<8x16xf32, #tpu.memory_space<vmem>>) dst(%dma_wait3A_698 : memref<8x16xf32, #tpu.memory_space<hbm>>)
      tpu.yield
    }) : () -> ()
    %barrier3A = arith.constant 0 : index
    tpu.barrier barrier_id(%barrier3A)
    %lt3A = arith.constant 4 : i32
    %lt3A_681 = arith.cmpi slt, %arg1, %lt3A : i32
    %convert_element_type3A = arith.extui %lt3A_681 : i1 to i32
    %cond3A = arith.constant 0 : i32
    %cond3A_682 = arith.cmpi ne, %convert_element_type3A, %cond3A : i32
    scf.if %cond3A_682 {
      %mul3A_683 = arith.constant 16 : i32
      %mul3A_684 = arith.muli %arg0, %mul3A_683 : i32
      %mul3A_685 = arith.constant 4 : i32
      %mul3A_686 = arith.muli %arg1, %mul3A_685 : i32
      %add3A_687 = arith.addi %mul3A_684, %mul3A_686 : i32
      "tpu.region"() ({
        %run_scoped3A = tpu.sem_alloc : memref<!tpu.dma_semaphore, #tpu.memory_space<semaphore_mem>>
        %dma_start3A_939 = arith.constant 0 : i32
        %dma_start3A_940 = arith.constant 0 : i32
        %dma_start3A_941 = tpu.memref_slice %arg8[%add3A_687, %dma_start3A_939, %dma_start3A_940] : memref<32x8x16xf32, #tpu.memory_space<hbm>> -> memref<4x8x16xf32, #tpu.memory_space<hbm>>
        %dma_start3A_942 = arith.constant 0 : i32
        %dma_start3A_943 = arith.constant 0 : i32
        %dma_start3A_944 = tpu.memref_slice %arg8[%add3A_687, %dma_start3A_942, %dma_start3A_943] : memref<32x8x16xf32, #tpu.memory_space<hbm>> -> memref<4x8x16xf32, #tpu.memory_space<hbm>>
        tpu.enqueue_dma source(%dma_start3A_944 : memref<4x8x16xf32, #tpu.memory_space<hbm>>) target(%arg7 : memref<4x8x16xf32, #tpu.memory_space<vmem>>) target_semaphore(%run_scoped3A : memref<!tpu.dma_semaphore, #tpu.memory_space<semaphore_mem>>)
        %dma_wait3A_945 = arith.constant 0 : i32
        %dma_wait3A_946 = arith.constant 0 : i32
        %dma_wait3A_947 = tpu.memref_slice %arg8[%add3A_687, %dma_wait3A_945, %dma_wait3A_946] : memref<32x8x16xf32, #tpu.memory_space<hbm>> -> memref<4x8x16xf32, #tpu.memory_space<hbm>>
        %dma_wait3A_948 = arith.constant 0 : i32
        %dma_wait3A_949 = arith.constant 0 : i32
        %dma_wait3A_950 = tpu.memref_slice %arg8[%add3A_687, %dma_wait3A_948, %dma_wait3A_949] : memref<32x8x16xf32, #tpu.memory_space<hbm>> -> memref<4x8x16xf32, #tpu.memory_space<hbm>>
        tpu.wait_dma2 semaphore(%run_scoped3A : memref<!tpu.dma_semaphore, #tpu.memory_space<semaphore_mem>>) src(%dma_wait3A_950 : memref<4x8x16xf32, #tpu.memory_space<hbm>>) dst(%arg7 : memref<4x8x16xf32, #tpu.memory_space<vmem>>)
        tpu.yield
      }) : () -> ()
      %get3A_688 = arith.constant 0 : i32
      %get3A_689 = arith.constant 0 : i32
      %get3A_690 = arith.index_cast %get3A_688 : i32 to index
      %get3A_691 = arith.index_cast %get3A_689 : i32 to index
      %get3A_692 = arith.constant 0 : index
      %get3A_693 = tpu.vector_load %arg7[%get3A_690, %get3A_691, %get3A_692] {strides = array<i32>} : memref<4x8x16xf32, #tpu.memory_space<vmem>>, vector<16xf32>,
      %get3A_694 = arith.constant 1 : i32
      %get3A_695 = arith.constant 0 : i32
      %get3A_696 = arith.index_cast %get3A_694 : i32 to index
      %get3A_697 = arith.index_cast %get3A_695 : i32 to index
      %get3A_698 = arith.constant 0 : index
      %get3A_699 = tpu.vector_load %arg7[%get3A_696, %get3A_697, %get3A_698] {strides = array<i32>} : memref<4x8x16xf32, #tpu.memory_space<vmem>>, vector<16xf32>,
      %add3A_700 = arith.addf %get3A_693, %get3A_699 : vector<16xf32>
      %get3A_701 = arith.constant 2 : i32
      %get3A_702 = arith.constant 0 : i32
      %get3A_703 = arith.index_cast %get3A_701 : i32 to index
      %get3A_704 = arith.index_cast %get3A_702 : i32 to index
      %get3A_705 = arith.constant 0 : index
      %get3A_706 = tpu.vector_load %arg7[%get3A_703, %get3A_704, %get3A_705] {strides = array<i32>} : memref<4x8x16xf32, #tpu.memory_space<vmem>>, vector<16xf32>,
      %get3A_707 = arith.constant 3 : i32
      %get3A_708 = arith.constant 0 : i32
      %get3A_709 = arith.index_cast %get3A_707 : i32 to index
      %get3A_710 = arith.index_cast %get3A_708 : i32 to index
      %get3A_711 = arith.constant 0 : index
      %get3A_712 = tpu.vector_load %arg7[%get3A_709, %get3A_710, %get3A_711] {strides = array<i32>} : memref<4x8x16xf32, #tpu.memory_space<vmem>>, vector<16xf32>,
      %add3A_713 = arith.addf %get3A_706, %get3A_712 : vector<16xf32>
      %add3A_714 = arith.addf %add3A_700, %add3A_713 : vector<16xf32>
      %swap3A_715 = arith.constant 0 : i32
      %swap3A_716 = arith.index_cast %swap3A_715 : i32 to index
      %swap3A_717 = arith.constant 0 : index
      %swap3A_718 = tpu.vector_load %arg6[%swap3A_716, %swap3A_717] {strides = array<i32>} : memref<8x16xf32, #tpu.memory_space<vmem>>, vector<16xf32>,
      tpu.vector_store %arg6[%swap3A_716, %swap3A_717], %add3A_714 {strides = array<i32>} : memref<8x16xf32, #tpu.memory_space<vmem>>, vector<16xf32>,
      %get3A_719 = arith.constant 0 : i32
      %get3A_720 = arith.constant 1 : i32
      %get3A_721 = arith.index_cast %get3A_719 : i32 to index
      %get3A_722 = arith.index_cast %get3A_720 : i32 to index
      %get3A_723 = arith.constant 0 : index
      %get3A_724 = tpu.vector_load %arg7[%get3A_721, %get3A_722, %get3A_723] {strides = array<i32>} : memref<4x8x16xf32, #tpu.memory_space<vmem>>, vector<16xf32>,
      %get3A_725 = arith.constant 1 : i32
      %get3A_726 = arith.constant 1 : i32
      %get3A_727 = arith.index_cast %get3A_725 : i32 to index
      %get3A_728 = arith.index_cast %get3A_726 : i32 to index
      %get3A_729 = arith.constant 0 : index
      %get3A_730 = tpu.vector_load %arg7[%get3A_727, %get3A_728, %get3A_729] {strides = array<i32>} : memref<4x8x16xf32, #tpu.memory_space<vmem>>, vector<16xf32>,
      %add3A_731 = arith.addf %get3A_724, %get3A_730 : vector<16xf32>
      %get3A_732 = arith.constant 2 : i32
      %get3A_733 = arith.constant 1 : i32
      %get3A_734 = arith.index_cast %get3A_732 : i32 to index
      %get3A_735 = arith.index_cast %get3A_733 : i32 to index
      %get3A_736 = arith.constant 0 : index
      %get3A_737 = tpu.vector_load %arg7[%get3A_734, %get3A_735, %get3A_736] {strides = array<i32>} : memref<4x8x16xf32, #tpu.memory_space<vmem>>, vector<16xf32>,
      %get3A_738 = arith.constant 3 : i32
      %get3A_739 = arith.constant 1 : i32
      %get3A_740 = arith.index_cast %get3A_738 : i32 to index
      %get3A_741 = arith.index_cast %get3A_739 : i32 to index
      %get3A_742 = arith.constant 0 : index
      %get3A_743 = tpu.vector_load %arg7[%get3A_740, %get3A_741, %get3A_742] {strides = array<i32>} : memref<4x8x16xf32, #tpu.memory_space<vmem>>, vector<16xf32>,
      %add3A_744 = arith.addf %get3A_737, %get3A_743 : vector<16xf32>
      %add3A_745 = arith.addf %add3A_731, %add3A_744 : vector<16xf32>
      %swap3A_746 = arith.constant 1 : i32
      %swap3A_747 = arith.index_cast %swap3A_746 : i32 to index
      %swap3A_748 = arith.constant 0 : index
      %swap3A_749 = tpu.vector_load %arg6[%swap3A_747, %swap3A_748] {strides = array<i32>} : memref<8x16xf32, #tpu.memory_space<vmem>>, vector<16xf32>,
      tpu.vector_store %arg6[%swap3A_747, %swap3A_748], %add3A_745 {strides = array<i32>} : memref<8x16xf32, #tpu.memory_space<vmem>>, vector<16xf32>,
      %get3A_750 = arith.constant 0 : i32
      %get3A_751 = arith.constant 2 : i32
      %get3A_752 = arith.index_cast %get3A_750 : i32 to index
      %get3A_753 = arith.index_cast %get3A_751 : i32 to index
      %get3A_754 = arith.constant 0 : index
      %get3A_755 = tpu.vector_load %arg7[%get3A_752, %get3A_753, %get3A_754] {strides = array<i32>} : memref<4x8x16xf32, #tpu.memory_space<vmem>>, vector<16xf32>,
      %get3A_756 = arith.constant 1 : i32
      %get3A_757 = arith.constant 2 : i32
      %get3A_758 = arith.index_cast %get3A_756 : i32 to index
      %get3A_759 = arith.index_cast %get3A_757 : i32 to index
      %get3A_760 = arith.constant 0 : index
      %get3A_761 = tpu.vector_load %arg7[%get3A_758, %get3A_759, %get3A_760] {strides = array<i32>} : memref<4x8x16xf32, #tpu.memory_space<vmem>>, vector<16xf32>,
      %add3A_762 = arith.addf %get3A_755, %get3A_761 : vector<16xf32>
      %get3A_763 = arith.constant 2 : i32
      %get3A_764 = arith.constant 2 : i32
      %get3A_765 = arith.index_cast %get3A_763 : i32 to index
      %get3A_766 = arith.index_cast %get3A_764 : i32 to index
      %get3A_767 = arith.constant 0 : index
      %get3A_768 = tpu.vector_load %arg7[%get3A_765, %get3A_766, %get3A_767] {strides = array<i32>} : memref<4x8x16xf32, #tpu.memory_space<vmem>>, vector<16xf32>,
      %get3A_769 = arith.constant 3 : i32
      %get3A_770 = arith.constant 2 : i32
      %get3A_771 = arith.index_cast %get3A_769 : i32 to index
      %get3A_772 = arith.index_cast %get3A_770 : i32 to index
      %get3A_773 = arith.constant 0 : index
      %get3A_774 = tpu.vector_load %arg7[%get3A_771, %get3A_772, %get3A_773] {strides = array<i32>} : memref<4x8x16xf32, #tpu.memory_space<vmem>>, vector<16xf32>,
      %add3A_775 = arith.addf %get3A_768, %get3A_774 : vector<16xf32>
      %add3A_776 = arith.addf %add3A_762, %add3A_775 : vector<16xf32>
      %swap3A_777 = arith.constant 2 : i32
      %swap3A_778 = arith.index_cast %swap3A_777 : i32 to index
      %swap3A_779 = arith.constant 0 : index
      %swap3A_780 = tpu.vector_load %arg6[%swap3A_778, %swap3A_779] {strides = array<i32>} : memref<8x16xf32, #tpu.memory_space<vmem>>, vector<16xf32>,
      tpu.vector_store %arg6[%swap3A_778, %swap3A_779], %add3A_776 {strides = array<i32>} : memref<8x16xf32, #tpu.memory_space<vmem>>, vector<16xf32>,
      %get3A_781 = arith.constant 0 : i32
      %get3A_782 = arith.constant 3 : i32
      %get3A_783 = arith.index_cast %get3A_781 : i32 to index
      %get3A_784 = arith.index_cast %get3A_782 : i32 to index
      %get3A_785 = arith.constant 0 : index
      %get3A_786 = tpu.vector_load %arg7[%get3A_783, %get3A_784, %get3A_785] {strides = array<i32>} : memref<4x8x16xf32, #tpu.memory_space<vmem>>, vector<16xf32>,
      %get3A_787 = arith.constant 1 : i32
      %get3A_788 = arith.constant 3 : i32
      %get3A_789 = arith.index_cast %get3A_787 : i32 to index
      %get3A_790 = arith.index_cast %get3A_788 : i32 to index
      %get3A_791 = arith.constant 0 : index
      %get3A_792 = tpu.vector_load %arg7[%get3A_789, %get3A_790, %get3A_791] {strides = array<i32>} : memref<4x8x16xf32, #tpu.memory_space<vmem>>, vector<16xf32>,
      %add3A_793 = arith.addf %get3A_786, %get3A_792 : vector<16xf32>
      %get3A_794 = arith.constant 2 : i32
      %get3A_795 = arith.constant 3 : i32
      %get3A_796 = arith.index_cast %get3A_794 : i32 to index
      %get3A_797 = arith.index_cast %get3A_795 : i32 to index
      %get3A_798 = arith.constant 0 : index
      %get3A_799 = tpu.vector_load %arg7[%get3A_796, %get3A_797, %get3A_798] {strides = array<i32>} : memref<4x8x16xf32, #tpu.memory_space<vmem>>, vector<16xf32>,
      %get3A_800 = arith.constant 3 : i32
      %get3A_801 = arith.constant 3 : i32
      %get3A_802 = arith.index_cast %get3A_800 : i32 to index
      %get3A_803 = arith.index_cast %get3A_801 : i32 to index
      %get3A_804 = arith.constant 0 : index
      %get3A_805 = tpu.vector_load %arg7[%get3A_802, %get3A_803, %get3A_804] {strides = array<i32>} : memref<4x8x16xf32, #tpu.memory_space<vmem>>, vector<16xf32>,
      %add3A_806 = arith.addf %get3A_799, %get3A_805 : vector<16xf32>
      %add3A_807 = arith.addf %add3A_793, %add3A_806 : vector<16xf32>
      %swap3A_808 = arith.constant 3 : i32
      %swap3A_809 = arith.index_cast %swap3A_808 : i32 to index
      %swap3A_810 = arith.constant 0 : index
      %swap3A_811 = tpu.vector_load %arg6[%swap3A_809, %swap3A_810] {strides = array<i32>} : memref<8x16xf32, #tpu.memory_space<vmem>>, vector<16xf32>,
      tpu.vector_store %arg6[%swap3A_809, %swap3A_810], %add3A_807 {strides = array<i32>} : memref<8x16xf32, #tpu.memory_space<vmem>>, vector<16xf32>,
      %get3A_812 = arith.constant 0 : i32
      %get3A_813 = arith.constant 4 : i32
      %get3A_814 = arith.index_cast %get3A_812 : i32 to index
      %get3A_815 = arith.index_cast %get3A_813 : i32 to index
      %get3A_816 = arith.constant 0 : index
      %get3A_817 = tpu.vector_load %arg7[%get3A_814, %get3A_815, %get3A_816] {strides = array<i32>} : memref<4x8x16xf32, #tpu.memory_space<vmem>>, vector<16xf32>,
      %get3A_818 = arith.constant 1 : i32
      %get3A_819 = arith.constant 4 : i32
      %get3A_820 = arith.index_cast %get3A_818 : i32 to index
      %get3A_821 = arith.index_cast %get3A_819 : i32 to index
      %get3A_822 = arith.constant 0 : index
      %get3A_823 = tpu.vector_load %arg7[%get3A_820, %get3A_821, %get3A_822] {strides = array<i32>} : memref<4x8x16xf32, #tpu.memory_space<vmem>>, vector<16xf32>,
      %add3A_824 = arith.addf %get3A_817, %get3A_823 : vector<16xf32>
      %get3A_825 = arith.constant 2 : i32
      %get3A_826 = arith.constant 4 : i32
      %get3A_827 = arith.index_cast %get3A_825 : i32 to index
      %get3A_828 = arith.index_cast %get3A_826 : i32 to index
      %get3A_829 = arith.constant 0 : index
      %get3A_830 = tpu.vector_load %arg7[%get3A_827, %get3A_828, %get3A_829] {strides = array<i32>} : memref<4x8x16xf32, #tpu.memory_space<vmem>>, vector<16xf32>,
      %get3A_831 = arith.constant 3 : i32
      %get3A_832 = arith.constant 4 : i32
      %get3A_833 = arith.index_cast %get3A_831 : i32 to index
      %get3A_834 = arith.index_cast %get3A_832 : i32 to index
      %get3A_835 = arith.constant 0 : index
      %get3A_836 = tpu.vector_load %arg7[%get3A_833, %get3A_834, %get3A_835] {strides = array<i32>} : memref<4x8x16xf32, #tpu.memory_space<vmem>>, vector<16xf32>,
      %add3A_837 = arith.addf %get3A_830, %get3A_836 : vector<16xf32>
      %add3A_838 = arith.addf %add3A_824, %add3A_837 : vector<16xf32>
      %swap3A_839 = arith.constant 4 : i32
      %swap3A_840 = arith.index_cast %swap3A_839 : i32 to index
      %swap3A_841 = arith.constant 0 : index
      %swap3A_842 = tpu.vector_load %arg6[%swap3A_840, %swap3A_841] {strides = array<i32>} : memref<8x16xf32, #tpu.memory_space<vmem>>, vector<16xf32>,
      tpu.vector_store %arg6[%swap3A_840, %swap3A_841], %add3A_838 {strides = array<i32>} : memref<8x16xf32, #tpu.memory_space<vmem>>, vector<16xf32>,
      %get3A_843 = arith.constant 0 : i32
      %get3A_844 = arith.constant 5 : i32
      %get3A_845 = arith.index_cast %get3A_843 : i32 to index
      %get3A_846 = arith.index_cast %get3A_844 : i32 to index
      %get3A_847 = arith.constant 0 : index
      %get3A_848 = tpu.vector_load %arg7[%get3A_845, %get3A_846, %get3A_847] {strides = array<i32>} : memref<4x8x16xf32, #tpu.memory_space<vmem>>, vector<16xf32>,
      %get3A_849 = arith.constant 1 : i32
      %get3A_850 = arith.constant 5 : i32
      %get3A_851 = arith.index_cast %get3A_849 : i32 to index
      %get3A_852 = arith.index_cast %get3A_850 : i32 to index
      %get3A_853 = arith.constant 0 : index
      %get3A_854 = tpu.vector_load %arg7[%get3A_851, %get3A_852, %get3A_853] {strides = array<i32>} : memref<4x8x16xf32, #tpu.memory_space<vmem>>, vector<16xf32>,
      %add3A_855 = arith.addf %get3A_848, %get3A_854 : vector<16xf32>
      %get3A_856 = arith.constant 2 : i32
      %get3A_857 = arith.constant 5 : i32
      %get3A_858 = arith.index_cast %get3A_856 : i32 to index
      %get3A_859 = arith.index_cast %get3A_857 : i32 to index
      %get3A_860 = arith.constant 0 : index
      %get3A_861 = tpu.vector_load %arg7[%get3A_858, %get3A_859, %get3A_860] {strides = array<i32>} : memref<4x8x16xf32, #tpu.memory_space<vmem>>, vector<16xf32>,
      %get3A_862 = arith.constant 3 : i32
      %get3A_863 = arith.constant 5 : i32
      %get3A_864 = arith.index_cast %get3A_862 : i32 to index
      %get3A_865 = arith.index_cast %get3A_863 : i32 to index
      %get3A_866 = arith.constant 0 : index
      %get3A_867 = tpu.vector_load %arg7[%get3A_864, %get3A_865, %get3A_866] {strides = array<i32>} : memref<4x8x16xf32, #tpu.memory_space<vmem>>, vector<16xf32>,
      %add3A_868 = arith.addf %get3A_861, %get3A_867 : vector<16xf32>
      %add3A_869 = arith.addf %add3A_855, %add3A_868 : vector<16xf32>
      %swap3A_870 = arith.constant 5 : i32
      %swap3A_871 = arith.index_cast %swap3A_870 : i32 to index
      %swap3A_872 = arith.constant 0 : index
      %swap3A_873 = tpu.vector_load %arg6[%swap3A_871, %swap3A_872] {strides = array<i32>} : memref<8x16xf32, #tpu.memory_space<vmem>>, vector<16xf32>,
      tpu.vector_store %arg6[%swap3A_871, %swap3A_872], %add3A_869 {strides = array<i32>} : memref<8x16xf32, #tpu.memory_space<vmem>>, vector<16xf32>,
      %get3A_874 = arith.constant 0 : i32
      %get3A_875 = arith.constant 6 : i32
      %get3A_876 = arith.index_cast %get3A_874 : i32 to index
      %get3A_877 = arith.index_cast %get3A_875 : i32 to index
      %get3A_878 = arith.constant 0 : index
      %get3A_879 = tpu.vector_load %arg7[%get3A_876, %get3A_877, %get3A_878] {strides = array<i32>} : memref<4x8x16xf32, #tpu.memory_space<vmem>>, vector<16xf32>,
      %get3A_880 = arith.constant 1 : i32
      %get3A_881 = arith.constant 6 : i32
      %get3A_882 = arith.index_cast %get3A_880 : i32 to index
      %get3A_883 = arith.index_cast %get3A_881 : i32 to index
      %get3A_884 = arith.constant 0 : index
      %get3A_885 = tpu.vector_load %arg7[%get3A_882, %get3A_883, %get3A_884] {strides = array<i32>} : memref<4x8x16xf32, #tpu.memory_space<vmem>>, vector<16xf32>,
      %add3A_886 = arith.addf %get3A_879, %get3A_885 : vector<16xf32>
      %get3A_887 = arith.constant 2 : i32
      %get3A_888 = arith.constant 6 : i32
      %get3A_889 = arith.index_cast %get3A_887 : i32 to index
      %get3A_890 = arith.index_cast %get3A_888 : i32 to index
      %get3A_891 = arith.constant 0 : index
      %get3A_892 = tpu.vector_load %arg7[%get3A_889, %get3A_890, %get3A_891] {strides = array<i32>} : memref<4x8x16xf32, #tpu.memory_space<vmem>>, vector<16xf32>,
      %get3A_893 = arith.constant 3 : i32
      %get3A_894 = arith.constant 6 : i32
      %get3A_895 = arith.index_cast %get3A_893 : i32 to index
      %get3A_896 = arith.index_cast %get3A_894 : i32 to index
      %get3A_897 = arith.constant 0 : index
      %get3A_898 = tpu.vector_load %arg7[%get3A_895, %get3A_896, %get3A_897] {strides = array<i32>} : memref<4x8x16xf32, #tpu.memory_space<vmem>>, vector<16xf32>,
      %add3A_899 = arith.addf %get3A_892, %get3A_898 : vector<16xf32>
      %add3A_900 = arith.addf %add3A_886, %add3A_899 : vector<16xf32>
      %swap3A_901 = arith.constant 6 : i32
      %swap3A_902 = arith.index_cast %swap3A_901 : i32 to index
      %swap3A_903 = arith.constant 0 : index
      %swap3A_904 = tpu.vector_load %arg6[%swap3A_902, %swap3A_903] {strides = array<i32>} : memref<8x16xf32, #tpu.memory_space<vmem>>, vector<16xf32>,
      tpu.vector_store %arg6[%swap3A_902, %swap3A_903], %add3A_900 {strides = array<i32>} : memref<8x16xf32, #tpu.memory_space<vmem>>, vector<16xf32>,
      %get3A_905 = arith.constant 0 : i32
      %get3A_906 = arith.constant 7 : i32
      %get3A_907 = arith.index_cast %get3A_905 : i32 to index
      %get3A_908 = arith.index_cast %get3A_906 : i32 to index
      %get3A_909 = arith.constant 0 : index
      %get3A_910 = tpu.vector_load %arg7[%get3A_907, %get3A_908, %get3A_909] {strides = array<i32>} : memref<4x8x16xf32, #tpu.memory_space<vmem>>, vector<16xf32>,
      %get3A_911 = arith.constant 1 : i32
      %get3A_912 = arith.constant 7 : i32
      %get3A_913 = arith.index_cast %get3A_911 : i32 to index
      %get3A_914 = arith.index_cast %get3A_912 : i32 to index
      %get3A_915 = arith.constant 0 : index
      %get3A_916 = tpu.vector_load %arg7[%get3A_913, %get3A_914, %get3A_915] {strides = array<i32>} : memref<4x8x16xf32, #tpu.memory_space<vmem>>, vector<16xf32>,
      %add3A_917 = arith.addf %get3A_910, %get3A_916 : vector<16xf32>
      %get3A_918 = arith.constant 2 : i32
      %get3A_919 = arith.constant 7 : i32
      %get3A_920 = arith.index_cast %get3A_918 : i32 to index
      %get3A_921 = arith.index_cast %get3A_919 : i32 to index
      %get3A_922 = arith.constant 0 : index
      %get3A_923 = tpu.vector_load %arg7[%get3A_920, %get3A_921, %get3A_922] {strides = array<i32>} : memref<4x8x16xf32, #tpu.memory_space<vmem>>, vector<16xf32>,
      %get3A_924 = arith.constant 3 : i32
      %get3A_925 = arith.constant 7 : i32
      %get3A_926 = arith.index_cast %get3A_924 : i32 to index
      %get3A_927 = arith.index_cast %get3A_925 : i32 to index
      %get3A_928 = arith.constant 0 : index
      %get3A_929 = tpu.vector_load %arg7[%get3A_926, %get3A_927, %get3A_928] {strides = array<i32>} : memref<4x8x16xf32, #tpu.memory_space<vmem>>, vector<16xf32>,
      %add3A_930 = arith.addf %get3A_923, %get3A_929 : vector<16xf32>
      %add3A_931 = arith.addf %add3A_917, %add3A_930 : vector<16xf32>
      %swap3A_932 = arith.constant 7 : i32
      %swap3A_933 = arith.index_cast %swap3A_932 : i32 to index
      %swap3A_934 = arith.constant 0 : index
      %swap3A_935 = tpu.vector_load %arg6[%swap3A_933, %swap3A_934] {strides = array<i32>} : memref<8x16xf32, #tpu.memory_space<vmem>>, vector<16xf32>,
      tpu.vector_store %arg6[%swap3A_933, %swap3A_934], %add3A_931 {strides = array<i32>} : memref<8x16xf32, #tpu.memory_space<vmem>>, vector<16xf32>,
      %mul3A_936 = arith.constant 4 : i32
      %mul3A_937 = arith.muli %arg0, %mul3A_936 : i32
      %add3A_938 = arith.addi %mul3A_937, %arg1 : i32
      "tpu.region"() ({
        %run_scoped3A = tpu.sem_alloc : memref<!tpu.dma_semaphore, #tpu.memory_space<semaphore_mem>>
        %dma_start3A_939 = arith.constant 0 : i32
        %dma_start3A_940 = arith.constant 0 : i32
        %dma_start3A_941 = tpu.memref_slice %arg3[%add3A_938, %dma_start3A_939, %dma_start3A_940] : memref<8x8x16xf32, #tpu.memory_space<hbm>> -> memref<1x8x16xf32, #tpu.memory_space<hbm>>
        %dma_start3A_942 = tpu.memref_squeeze %dma_start3A_941 : memref<1x8x16xf32, #tpu.memory_space<hbm>> -> memref<8x16xf32, #tpu.memory_space<hbm>>
        %dma_start3A_943 = arith.constant 0 : i32
        %dma_start3A_944 = arith.constant 0 : i32
        %dma_start3A_945 = tpu.memref_slice %arg3[%add3A_938, %dma_start3A_943, %dma_start3A_944] : memref<8x8x16xf32, #tpu.memory_space<hbm>> -> memref<1x8x16xf32, #tpu.memory_space<hbm>>
        %dma_start3A_946 = tpu.memref_squeeze %dma_start3A_945 : memref<1x8x16xf32, #tpu.memory_space<hbm>> -> memref<8x16xf32, #tpu.memory_space<hbm>>
        tpu.enqueue_dma source(%arg6 : memref<8x16xf32, #tpu.memory_space<vmem>>) target(%dma_start3A_946 : memref<8x16xf32, #tpu.memory_space<hbm>>) target_semaphore(%run_scoped3A : memref<!tpu.dma_semaphore, #tpu.memory_space<semaphore_mem>>)
        %dma_wait3A_947 = arith.constant 0 : i32
        %dma_wait3A_948 = arith.constant 0 : i32
        %dma_wait3A_949 = tpu.memref_slice %arg3[%add3A_938, %dma_wait3A_947, %dma_wait3A_948] : memref<8x8x16xf32, #tpu.memory_space<hbm>> -> memref<1x8x16xf32, #tpu.memory_space<hbm>>
        %dma_wait3A_950 = tpu.memref_squeeze %dma_wait3A_949 : memref<1x8x16xf32, #tpu.memory_space<hbm>> -> memref<8x16xf32, #tpu.memory_space<hbm>>
        %dma_wait3A_951 = arith.constant 0 : i32
        %dma_wait3A_952 = arith.constant 0 : i32
        %dma_wait3A_953 = tpu.memref_slice %arg3[%add3A_938, %dma_wait3A_951, %dma_wait3A_952] : memref<8x8x16xf32, #tpu.memory_space<hbm>> -> memref<1x8x16xf32, #tpu.memory_space<hbm>>
        %dma_wait3A_954 = tpu.memref_squeeze %dma_wait3A_953 : memref<1x8x16xf32, #tpu.memory_space<hbm>> -> memref<8x16xf32, #tpu.memory_space<hbm>>
        tpu.wait_dma2 semaphore(%run_scoped3A : memref<!tpu.dma_semaphore, #tpu.memory_space<semaphore_mem>>) src(%arg6 : memref<8x16xf32, #tpu.memory_space<vmem>>) dst(%dma_wait3A_954 : memref<8x16xf32, #tpu.memory_space<hbm>>)
        tpu.yield
      }) : () -> ()
    } else {
    }
    return
  }
}

</mosaic_0001>

<sc_bundles>
// kernel: kernel.3.cloned.1.call-start
scs
__scs_entry_jumppad:
0x0: {  	(pc) =	sbr.rel $0x88, $3  }
0x1: {  	(tag) =	ssettag $0x0;
	lr =	simm.s32 $0x1  }
0x2: {  	[smem:$0x3FA0] =	sst lr;
	_ =	strace $0xD0000000  }
0x3: {  	_ = 	snop  }
0x4: {  	_ = 	snop  }
0x5: {  	_ = 	snop  }
0x6: {  	_ = 	snop  }
0x7: {  	_ = 	snop  }
__scs_overlays_trampoline_lowered:
0x8: {  	[smem:$0x3FAF] =	sst s0  }
0x9: {  	[smem:$0x3FB0] =	sst s1  }
0xa: {  	[smem:$0x3FB1] =	sst s2  }
0xb: {  	[smem:$0x3FB2] =	sst s3  }
0xc: {  	[smem:$0x3FB3] =	sst s4  }
0xd: {  	[smem:$0x3FB4] =	sst s5  }
0xe: {  	[smem:$0x3FB5] =	sst s6  }
0xf: {  	[smem:$0x3FB6] =	sst s7  }
0x10: {  	[smem:$0x3FB7] =	sst s8  }
0x11: {  	[smem:$0x3FB8] =	sst s9;
	s0 =	simm.s32 @!p0 $0x0  }
0x12: {  	s1 =	sld [smem:$0x3F9E];
	s0 =	simm.s32 @p0 $0x1  }
0x13: {  	[smem:$0x3FB9] =	sst s0;
	s0 =	simm.s32 @!p1 $0x0  }
0x14: {  	s2 =	sld [smem:$0x3F9D];
	s0 =	simm.s32 @p1 $0x1  }
0x15: {  	[smem:$0x3FBA] =	sst s0;
	s0 =	simm.s32 @!p2 $0x0  }
0x16: {  	s3 =	sld [smem:$0x3FDB];
	s0 =	simm.s32 @p2 $0x1  }
0x17: {  	s4 =	simm.s32 $0x1BF5;
	[smem:$0x3FBC] =	sst s0  }
0x18: {  	s0 =	sld [smem:$0x3F9F];
	_ =	swait.ge [sflag:s4], $0x0  }
0x19: {  	s7 =	sld [smem:$0x3FA0]  }
0x1a: {  	s8 =	sadd.s32 $0xFFFFE003, lr  }
0x1b: {  	s9 =	sadd.s32 $0xFFFFFEF7, lr;
	s5 =	simm.s32 $0xFFFFFFFF;
	p2 =	slt.u32 s8, $0xFFFFF086  }
0x1c: {  	p1 =	slt.u32 s9, $0xF7A;
	s5 =	simm.s32 @!p2 $0x0  }
0x1d: {  	s5 =	simm.s32 @p1 $0x1;
	p0 =	seq.s32 s7, s2  }
0x1e: {  	s7 =	smul.u32 @!p0 $0xF7A, s2;
	p2 =	seq.s32 @!p0 s5, $0x0  }
0x1f: {  	s9 =	smul.u32 $0xF7A, s1;
	s8 =	simm.s32 @!p0 $0x1BF5;
	p2 =	por !p2, p0  }
0x20: {  	[sflag:s8] =	ssyncset.s32 @!p0 $0xFFFFF086;
	s6 =	sadd.s32 @!p0 s3, s7;
	s7 =	simm.s32 @!p0 $0x108  }
0x21: {  	s3 =	sadd.s32 s3, s9;
	s6 =	sadd.s32 @!p0 $0x88, s6;
	s7 =	simm.s32 @p2 $0x1082  }
0x22: {  	[simem:s7], [sflag:s8] =	dma.local @!p0 [hbm:s6], $0xF7A  }
0x23: {  	s9 =	sor.u32 $0xD0000000, s2;
	s6 =	simm.s32 $0x108;
	_ =	swait.ge @!p0 [sflag:s8], $0x0  }
0x24: {  	s3 =	sadd.s32 $0x88, s3;
	s6 =	simm.s32 @!p1 $0x1082;
	[sflag:s4] =	ssyncset.s32 $0xFFFFF086  }
0x25: {  	[simem:s6], [sflag:s4] =	dma.local [hbm:s3], $0xF7A  }
0x26: {  	[smem:$0x3FA0] =	sst s1;
	(tag) =	ssettag s2;
	_ =	strace s9  }
0x27: {  	s1 =	sld [smem:$0x3FB0]  }
0x28: {  	s2 =	sld [smem:$0x3FB1]  }
0x29: {  	s4 =	sld [smem:$0x3FB3]  }
0x2a: {  	p0 =	seq.s32 s5, $0x0;
	s5 =	sld [smem:$0x3FB4]  }
0x2b: {  	s6 =	sld [smem:$0x3FB5]  }
0x2c: {  	s7 =	sld [smem:$0x3FB6]  }
0x2d: {  	s3 =	simm.s32 $0x108;
	s8 =	sld [smem:$0x3FB7]  }
0x2e: {  	s3 =	simm.s32 @!p0 $0x1082;
	s9 =	sld [smem:$0x3FB8]  }
0x2f: {  	lr =	sadd.s32 s0, s3;
	s0 =	sld [smem:$0x3FAF]  }
0x30: {  	s3 =	sld [smem:$0x3FB2]  }
0x31: {  	[smem:$0x3FBB] =	sst s10  }
0x32: {  	s10 =	sld [smem:$0x3FB9];
	_ =	sdelay $0x3  }
0x33: {  	p0 =	seq.s32 s10, $0x1;
	s10 =	sld [smem:$0x3FBB];
	_ =	sdelay $0x3  }
0x34: {  	[smem:$0x3FBB] =	sst s10  }
0x35: {  	s10 =	sld [smem:$0x3FBA];
	_ =	sdelay $0x3  }
0x36: {  	p1 =	seq.s32 s10, $0x1;
	s10 =	sld [smem:$0x3FBB];
	_ =	sdelay $0x3  }
0x37: {  	[smem:$0x3FBB] =	sst s10  }
0x38: {  	s10 =	sld [smem:$0x3FBC]  }
0x39: {  	_ = 	snop;
	(pc) =	sbr.ind lr, $3  }
0x3a: {  	_ = 	snop  }
0x3b: {  	_ = 	snop  }
0x3c: {  	p2 =	seq.s32 s10, $0x1;
	s10 =	sld [smem:$0x3FBB]  }
0x3d: {  	_ =	shalt  }
0x3e: {  	_ =	shalt  }
0x3f: {  	_ =	shalt  }
0x40: {  	_ =	shalt  }
0x41: {  	_ =	shalt  }
0x42: {  	_ =	shalt  }
0x43: {  	_ =	shalt  }
0x44: {  	_ =	shalt  }
0x45: {  	_ =	shalt  }
0x46: {  	_ =	shalt  }
0x47: {  	_ =	shalt  }
0x48: {  	_ =	shalt  }
0x49: {  	_ =	shalt  }
0x4a: {  	_ =	shalt  }
0x4b: {  	_ =	shalt  }
0x4c: {  	_ =	shalt  }
0x4d: {  	_ =	shalt  }
0x4e: {  	_ =	shalt  }
0x4f: {  	_ =	shalt  }
0x50: {  	_ =	shalt  }
0x51: {  	_ =	shalt  }
0x52: {  	_ =	shalt  }
0x53: {  	_ =	shalt  }
0x54: {  	_ =	shalt  }
0x55: {  	_ =	shalt  }
0x56: {  	_ =	shalt  }
0x57: {  	_ =	shalt  }
0x58: {  	_ =	shalt  }
0x59: {  	_ =	shalt  }
0x5a: {  	_ =	shalt  }
0x5b: {  	_ =	shalt  }
0x5c: {  	_ =	shalt  }
0x5d: {  	_ =	shalt  }
0x5e: {  	_ =	shalt  }
0x5f: {  	_ =	shalt  }
0x60: {  	_ =	shalt  }
0x61: {  	_ =	shalt  }
0x62: {  	_ =	shalt  }
0x63: {  	_ =	shalt  }
0x64: {  	_ =	shalt  }
0x65: {  	_ =	shalt  }
0x66: {  	_ =	shalt  }
0x67: {  	_ =	shalt  }
0x68: {  	_ =	shalt  }
0x69: {  	_ =	shalt  }
0x6a: {  	_ =	shalt  }
0x6b: {  	_ =	shalt  }
0x6c: {  	_ =	shalt  }
0x6d: {  	_ =	shalt  }
0x6e: {  	_ =	shalt  }
0x6f: {  	_ =	shalt  }
0x70: {  	_ =	shalt  }
0x71: {  	_ =	shalt  }
0x72: {  	_ =	shalt  }
0x73: {  	_ =	shalt  }
0x74: {  	_ =	shalt  }
0x75: {  	_ =	shalt  }
0x76: {  	_ =	shalt  }
0x77: {  	_ =	shalt  }
0x78: {  	_ =	shalt  }
0x79: {  	_ =	shalt  }
0x7a: {  	_ =	shalt  }
0x7b: {  	_ =	shalt  }
0x7c: {  	_ =	shalt  }
0x7d: {  	_ =	shalt  }
0x7e: {  	_ =	shalt  }
0x7f: {  	_ =	shalt  }
0x80: {  	_ =	shalt  }
0x81: {  	_ =	shalt  }
0x82: {  	_ =	shalt  }
0x83: {  	_ =	shalt  }
0x84: {  	_ =	shalt  }
0x85: {  	_ =	shalt  }
0x86: {  	_ =	shalt  }
0x87: {  	_ =	shalt  }
.Lfunc_end0:
.L_simem_size_0:
called_computation_lowered:
.L_overlay_start_0:
0x88: {  	s2 =	sld [smem:$0x3FD9]  }
0x89: {  	s3 =	sld [smem:$0x3FFE];
	_ =	sdelay $0x1  }
0x8a: {  	s1 =	srdreg.scid  }
0x8b: {  	s0 =	sand.u32 $0x1, s1  }
0x8c: {  	s18 =	sshll.u32 s0, $0xA;
	s2 =	sadd.s32 s3, s2  }
0x8d: {  	s3 =	sadd.s32 s2, s18  }
0x8e: {  	[smem:$0x3FC7] =	sst s3  }
0x8f: {  	_ = 	snop  }
0x90: {  	s3 =	sld [smem:$0x3FD0];
	(tm) =	ssettm $0x1  }
0x91: {  	s4 =	sld [smem:$0x3FFB];
	_ =	sdelay $0x3  }
0x92: {  	_ =	strace s4  }
0x93: {  	s4 =	sld [smem:$0x3FFC];
	_ =	sdelay $0x3  }
0x94: {  	_ =	strace s4  }
0x95: {  	s4 =	sld [smem:$0x3FFD];
	_ =	sdelay $0x3  }
0x96: {  	_ =	strace s4  }
0x97: {  	_ =	strace $0x8FFFFFFF  }
0x98: {  	s19 =	sld [smem:$0x3FDB];
	_ =	sdelay $0x1  }
0x99: {  	s5 =	simm.s32 $_scs_section_size  }
0x9a: {  	s6 =	simm.s32 $_size__tile_overlayer_lowered;
	s7 =	simm.s32 $_tile_overlayer_lowered  }
0x9b: {  	s22 =	simm.s32 $0x1BFF;
	s21 =	sshll.u32 s7, $0x1;
	s4 =	sadd.s32 s5, s19  }
0x9c: {  	s8 =	simm.s32 $0x0;
	s20 =	sshll.u32 s6, $0x1;
	s6 =	sadd.s32 s21, s4  }
0x9d: {  	[timem:s8], [sflag:s22] =	dma.local [hbm:s6], s20  }
0x9e: {  	_ =	swait.ge [sflag:s22], s20  }
0x9f: {  	s5 =	ssub.s32 $0x0, s20;
	[sflag:s22] =	ssyncset.done $0x0  }
0xa0: {  	[sflag:s22] =	ssyncadd.s32 s5;
	_ =	sdelay $0x1  }
0xa1: {  	s23 =	simm.s32 $0x1B8B  }
0xa2: {  	_ =	swait.ge [sflag:s23], $0x1  }
0xa3: {  	[sflag:s23] =	ssyncset.done $0x0  }
0xa4: {  	s25 =	simm.s32 $0x1B8E;
	s24 =	sld [smem:$0x3FFE];
	[sflag:s23] =	ssyncadd.s32 $0xFFFFFFFF  }
0xa5: {  	s26 =	simm.s32 $execute0_lowered;
	[smem:$0x3FD2] =	sst s25  }
0xa6: {  	s6 =	sshll.u32 s26, $0x1;
	_ =	strace $0x80000046;
	[dreg:$0x1] =	wrdreg $0xFFFFFFFF  }
0xa7: {  	s28 =	simm.s32 $_size_execute0_lowered;
	s4 =	sadd.s32 s4, s6;
	[dreg:$0x0] =	wrdreg $0x0  }
0xa8: {  	s6 =	sshll.u32 s28, $0x1;
	[dreg:$0x2] =	wrdreg s4  }
0xa9: {  	[dreg:$0x3] =	wrdreg s6  }
0xaa: {  	[dreg:$0x4] =	wrdreg $0xC0  }
0xab: {  	_ =	task [dreg:s8], $0x5FFFF  }
0xac: {  	[dreg:$0x1] =	wrdreg $0xFFFFFFFF  }
0xad: {  	[dreg:$0x0] =	wrdreg $0x60  }
0xae: {  	[dreg:$0x2] =	wrdreg s24  }
0xaf: {  	s2 =	sadd.s32 $0x800, s2;
	[dreg:$0x3] =	wrdreg s3  }
0xb0: {  	[dreg:$0x4] =	wrdreg s2  }
0xb1: {  	[dreg:$0x5] =	wrdreg $0x9  }
0xb2: {  	_ =	task.clear_ibuf [dreg:s8], $0x6FFFF;
	_ =	strace $0x90000046  }
0xb3: {  	s29 =	simm.s32 $0x9;
	_ =	strace $0x80000048  }
0xb4: {  	_ =	swait.ge [sflag:s29], $0x1  }
0xb5: {  	[sflag:s29] =	ssyncadd.s32 $0xFFFFFFFF  }
0xb6: {  	_ =	strace $0x90000048  }
0xb7: {  	_ =	sfence  }
0xb8: {  	s30 =	sld [smem:$0x0];
	_ =	sdelay $0x2  }
0xb9: {  	s31 =	sshll.u32 s1, $0xD;
	s1 =	sshrl.u32 s1, $0x2  }
0xba: {  	s3 =	sand.u32 $0x4000, s31;
	s1 =	sadd.s32 s1, s30  }
0xbb: {  	s0 =	sor.u32 s3, s0;
	s1 =	sshll.u32 s1, $0x11  }
0xbc: {  	s0 =	sor.u32 s1, s0  }
0xbd: {  	s0 =	sadd.s32 $0x8F2B, s0  }
0xbe: {  	[sflag:s0] =	ssyncadd.remote.s32 $0x1  }
0xbf: {  	_ =	sfence.sel $0xFFFF  }
0xc0: {  	[dreg:$0x0] =	wrdreg $0xFFFFFFFF;
	(pc) =	sbr.abs _section_cstart, $3  }
0xc1: {  	[dreg:$0x1] =	wrdreg $0xFFFFFFFF  }
0xc2: {  	_ =	task.clear_ibuf [dreg:s8], $0x2FFFF;
	_ =	strace $0x9FFFFFFF  }
0xc3: {  	(tm) =	ssettm $0x7FFFFFFF  }
tec
execute0_lowered:
.L_overlay_start_1:
0x0: {  	(tag) =	ssettag $0x1  }
0x1: {  	s3 =	rddreg [dreg:$0x0]  }
0x2: {  	s5 =	rddreg [dreg:$0x1]  }
0x3: {  	s0 =	srdreg.scid;
	s11 =	rddreg [dreg:$0x2]  }
0x4: {  	s2 =	simm.s32 $0x0;
	s13 =	simm.s32 $0x0;
	s4 =	sand.u32 $0x1, s0  }
0x5: {  	s0 =	stileid.u32;
	[smem:$0x7FF] =	sst s2;
	s1 =	sshll.u32 s4, $0x4  }
0x6: {  	s8 =	ssub.s32 $0x2, s4;
	s31 =	sshll.u32 s0, $0x9;
	s9 =	sshll.u32 s0, $0x7  }
0x7: {  	v11 =	vlaneseq.u32;
	s10 =	sshll.u32 s4, $0xB;
	s4 =	sshll.u32 s4, $0x9;
	p0 =	sgt.u32 s0, $0x3  }
0x8: {  	v1 =	vimm.f32 $0.0e+00;
	v4 =	vimm.f32 $1.000000000e+00;
	v6 =	vimm.s32 $0x0;
	s6 =	sor.u32 s0, s1;
	s1 =	rddreg [dreg:$0x3];
	s29 =	sshrl.u32 s8, $0x1  }
0x9: {  	v7 =	vimm.s32 $0x3;
	v0 =	vmul.u32 $0x3, v11;
	v5 =	vmul.u32 $0x80, v11;
	_ =	strace $0x80000047;
	s5 =	sadd.s32 s5, s9;
	s7 =	smul.u32 $0x300, s6  }
.Ltmp0:
0xa: {  	v8 =	vimm.s32 $0x5;
	v9 =	vimm.s32 $0x7;
	v11 =	vor.u32 $0x800, v11;
	s12 =	sadd.s32 s10, s31;
	s9 =	simm.s32 $0x2080;
	(pc) =	sbr.rel .LBB2_1-.Ltmp0, $4  }
0xb: {  	v2 =	vadd.s32 $0x1, v0;
	v3 =	vadd.s32 $0x2, v0;
	v10 =	vor.u32 $0x1, v5;
	s10 =	simm.s32 $0x2;
	s30 =	sshll.u32 s6, $0x7;
	s4 =	sadd.s32 s4, s5  }
0xc: {  	v12 =	vadd.s32 $0x30, v0;
	v13 =	vadd.s32 $0x31, v0;
	v14 =	vadd.s32 $0x32, v0;
	s6 =	simm.s32 $0x1;
	s3 =	sadd.s32 s7, s3;
	s7 =	ssub.s32 s8, s29  }
0xd: {  	v15 =	vadd.s32 $0x60, v0;
	v16 =	vadd.s32 $0x61, v0;
	v17 =	vadd.s32 $0x62, v0;
	s8 =	sadd.s32 s30, s11;
	s11 =	sadd.s32 s11, s12;
	s12 =	simm.s32 $0x2480  }
0xe: {  	v18 =	vadd.s32 $0x90, v0;
	v19 =	vadd.s32 $0x91, v0;
	v20 =	vadd.s32 $0x92, v0;
	s3 =	sadd.s32 $0x100400, s3;
	s5 =	smax.u32 s7, $0x1;
	s7 =	simm.s32 $0x1800  }
.LBB2_5:
0xf: {  	s13 =	sadd.s32 $0x1, s13  }
0x10: {  	p1 =	sne.s32 s13, s5  }
.Ltmp1:
0x11: {  	_ = 	snop;
	(pc) =	sbr.rel @!p1 .LBB2_6-.Ltmp1, $1  }
0x12: {  	_ =	sdelay $0x3  }
.LBB2_1:
0x13: {  	[tilespmem:s2], [sflag:$0x1] =	stream.linear.gather [hbm4b:s3+s2], $0x1800, $0x38;
	[tilespmem:$0x3480] =	vst v63  }
0x14: {  	[tilespmem:$0x1800] =	vst v1  }
0x15: {  	[tilespmem:$0x1810] =	vst v1  }
0x16: {  	[tilespmem:$0x1820] =	vst v1  }
0x17: {  	[tilespmem:$0x1830] =	vst v1  }
0x18: {  	[tilespmem:$0x1840] =	vst v1  }
0x19: {  	[tilespmem:$0x1850] =	vst v1  }
0x1a: {  	[tilespmem:$0x1860] =	vst v1  }
0x1b: {  	[tilespmem:$0x1870] =	vst v1  }
0x1c: {  	[tilespmem:$0x1880] =	vst v1  }
0x1d: {  	[tilespmem:$0x1890] =	vst v1  }
0x1e: {  	[tilespmem:$0x18A0] =	vst v1  }
0x1f: {  	[tilespmem:$0x18B0] =	vst v1  }
0x20: {  	[tilespmem:$0x18C0] =	vst v1  }
0x21: {  	[tilespmem:$0x18D0] =	vst v1  }
0x22: {  	[tilespmem:$0x18E0] =	vst v1  }
0x23: {  	[tilespmem:$0x18F0] =	vst v1  }
0x24: {  	[tilespmem:$0x1900] =	vst v1  }
0x25: {  	[tilespmem:$0x1910] =	vst v1  }
0x26: {  	[tilespmem:$0x1920] =	vst v1  }
0x27: {  	[tilespmem:$0x1930] =	vst v1  }
0x28: {  	[tilespmem:$0x1940] =	vst v1  }
0x29: {  	[tilespmem:$0x1950] =	vst v1  }
0x2a: {  	[tilespmem:$0x1960] =	vst v1  }
0x2b: {  	[tilespmem:$0x1970] =	vst v1  }
0x2c: {  	[tilespmem:$0x1980] =	vst v1  }
0x2d: {  	[tilespmem:$0x1990] =	vst v1  }
0x2e: {  	[tilespmem:$0x19A0] =	vst v1  }
0x2f: {  	[tilespmem:$0x19B0] =	vst v1  }
0x30: {  	[tilespmem:$0x19C0] =	vst v1  }
0x31: {  	[tilespmem:$0x19D0] =	vst v1  }
0x32: {  	[tilespmem:$0x19E0] =	vst v1  }
0x33: {  	[tilespmem:$0x19F0] =	vst v1  }
0x34: {  	[tilespmem:$0x1A00] =	vst v1  }
0x35: {  	[tilespmem:$0x1A10] =	vst v1  }
0x36: {  	[tilespmem:$0x1A20] =	vst v1  }
0x37: {  	[tilespmem:$0x1A30] =	vst v1  }
0x38: {  	[tilespmem:$0x1A40] =	vst v1  }
0x39: {  	[tilespmem:$0x1A50] =	vst v1  }
0x3a: {  	[tilespmem:$0x1A60] =	vst v1  }
0x3b: {  	[tilespmem:$0x1A70] =	vst v1  }
0x3c: {  	[tilespmem:$0x1A80] =	vst v1  }
0x3d: {  	[tilespmem:$0x1A90] =	vst v1  }
0x3e: {  	[tilespmem:$0x1AA0] =	vst v1  }
0x3f: {  	[tilespmem:$0x1AB0] =	vst v1  }
0x40: {  	[tilespmem:$0x1AC0] =	vst v1  }
0x41: {  	[tilespmem:$0x1AD0] =	vst v1  }
0x42: {  	[tilespmem:$0x1AE0] =	vst v1  }
0x43: {  	[tilespmem:$0x1AF0] =	vst v1  }
0x44: {  	[tilespmem:$0x1B00] =	vst v1  }
0x45: {  	[tilespmem:$0x1B10] =	vst v1  }
0x46: {  	[tilespmem:$0x1B20] =	vst v1  }
0x47: {  	[tilespmem:$0x1B30] =	vst v1  }
0x48: {  	[tilespmem:$0x1B40] =	vst v1  }
0x49: {  	[tilespmem:$0x1B50] =	vst v1  }
0x4a: {  	[tilespmem:$0x1B60] =	vst v1  }
0x4b: {  	[tilespmem:$0x1B70] =	vst v1  }
0x4c: {  	[tilespmem:$0x1B80] =	vst v1  }
0x4d: {  	[tilespmem:$0x1B90] =	vst v1  }
0x4e: {  	[tilespmem:$0x1BA0] =	vst v1  }
0x4f: {  	[tilespmem:$0x1BB0] =	vst v1  }
0x50: {  	[tilespmem:$0x1BC0] =	vst v1  }
0x51: {  	[tilespmem:$0x1BD0] =	vst v1  }
0x52: {  	[tilespmem:$0x1BE0] =	vst v1  }
0x53: {  	[tilespmem:$0x1BF0] =	vst v1  }
0x54: {  	[tilespmem:$0x1C00] =	vst v1  }
0x55: {  	[tilespmem:$0x1C10] =	vst v1  }
0x56: {  	[tilespmem:$0x1C20] =	vst v1  }
0x57: {  	[tilespmem:$0x1C30] =	vst v1  }
0x58: {  	[tilespmem:$0x1C40] =	vst v1  }
0x59: {  	[tilespmem:$0x1C50] =	vst v1  }
0x5a: {  	[tilespmem:$0x1C60] =	vst v1  }
0x5b: {  	[tilespmem:$0x1C70] =	vst v1  }
0x5c: {  	[tilespmem:$0x1C80] =	vst v1  }
0x5d: {  	[tilespmem:$0x1C90] =	vst v1  }
0x5e: {  	[tilespmem:$0x1CA0] =	vst v1  }
0x5f: {  	[tilespmem:$0x1CB0] =	vst v1  }
0x60: {  	[tilespmem:$0x1CC0] =	vst v1  }
0x61: {  	[tilespmem:$0x1CD0] =	vst v1  }
0x62: {  	[tilespmem:$0x1CE0] =	vst v1  }
0x63: {  	[tilespmem:$0x1CF0] =	vst v1  }
0x64: {  	[tilespmem:$0x1D00] =	vst v1  }
0x65: {  	[tilespmem:$0x1D10] =	vst v1  }
0x66: {  	[tilespmem:$0x1D20] =	vst v1  }
0x67: {  	[tilespmem:$0x1D30] =	vst v1  }
0x68: {  	[tilespmem:$0x1D40] =	vst v1  }
0x69: {  	[tilespmem:$0x1D50] =	vst v1  }
0x6a: {  	[tilespmem:$0x1D60] =	vst v1  }
0x6b: {  	[tilespmem:$0x1D70] =	vst v1  }
0x6c: {  	[tilespmem:$0x1D80] =	vst v1  }
0x6d: {  	[tilespmem:$0x1D90] =	vst v1  }
0x6e: {  	[tilespmem:$0x1DA0] =	vst v1  }
0x6f: {  	[tilespmem:$0x1DB0] =	vst v1  }
0x70: {  	[tilespmem:$0x1DC0] =	vst v1  }
0x71: {  	[tilespmem:$0x1DD0] =	vst v1  }
0x72: {  	[tilespmem:$0x1DE0] =	vst v1  }
0x73: {  	[tilespmem:$0x1DF0] =	vst v1  }
0x74: {  	[tilespmem:$0x1E00] =	vst v1  }
0x75: {  	[tilespmem:$0x1E10] =	vst v1  }
0x76: {  	[tilespmem:$0x1E20] =	vst v1  }
0x77: {  	[tilespmem:$0x1E30] =	vst v1  }
0x78: {  	[tilespmem:$0x1E40] =	vst v1  }
0x79: {  	[tilespmem:$0x1E50] =	vst v1  }
0x7a: {  	[tilespmem:$0x1E60] =	vst v1  }
0x7b: {  	[tilespmem:$0x1E70] =	vst v1  }
0x7c: {  	[tilespmem:$0x1E80] =	vst v1  }
0x7d: {  	[tilespmem:$0x1E90] =	vst v1  }
0x7e: {  	[tilespmem:$0x1EA0] =	vst v1  }
0x7f: {  	[tilespmem:$0x1EB0] =	vst v1  }
0x80: {  	[tilespmem:$0x1EC0] =	vst v1  }
0x81: {  	[tilespmem:$0x1ED0] =	vst v1  }
0x82: {  	[tilespmem:$0x1EE0] =	vst v1  }
0x83: {  	[tilespmem:$0x1EF0] =	vst v1  }
0x84: {  	[tilespmem:$0x1F00] =	vst v1  }
0x85: {  	[tilespmem:$0x1F10] =	vst v1  }
0x86: {  	[tilespmem:$0x1F20] =	vst v1  }
0x87: {  	[tilespmem:$0x1F30] =	vst v1  }
0x88: {  	[tilespmem:$0x1F40] =	vst v1  }
0x89: {  	[tilespmem:$0x1F50] =	vst v1  }
0x8a: {  	[tilespmem:$0x1F60] =	vst v1  }
0x8b: {  	[tilespmem:$0x1F70] =	vst v1  }
0x8c: {  	[tilespmem:$0x1F80] =	vst v1  }
0x8d: {  	[tilespmem:$0x1F90] =	vst v1  }
0x8e: {  	[tilespmem:$0x1FA0] =	vst v1  }
0x8f: {  	[tilespmem:$0x1FB0] =	vst v1  }
0x90: {  	[tilespmem:$0x1FC0] =	vst v1  }
0x91: {  	[tilespmem:$0x1FD0] =	vst v1  }
0x92: {  	[tilespmem:$0x1FE0] =	vst v1  }
0x93: {  	[tilespmem:$0x1FF0] =	vst v1  }
0x94: {  	_ =	swait.ge [sflag:s6], $0x1800  }
0x95: {  	[sflag:s6] =	ssyncset.done $0x0  }
0x96: {  	s14 =	simm.s32 $0x0;
	[sflag:s6] =	ssyncadd.s32 $0xFFFFE800  }
.LBB2_2:
0x97: {  	v21 =	vor.u32 s14, v0  }
0x98: {  	v22 =	vor.u32 s14, v2  }
0x99: {  	v23 =	vor.u32 s14, v3;
	_ =	sdelay $0x2  }
0x9a: {  	v21 =	vld.idx.msk [tilespmem:v21+s2+$0x0], $0xffff  }
0x9b: {  	v22 =	vld.idx.msk [tilespmem:v22+s2+$0x0], $0xffff  }
0x9c: {  	v23 =	vld.idx.msk [tilespmem:v23+s2+$0x0], $0xffff;
	_ =	sdelay $0x3  }
0x9d: {  	v24 =	vmul.f32 v21, v21  }
0x9e: {  	v25 =	vmul.f32 v22, v22;
	v26 =	vmul.f32 v23, v23  }
0x9f: {  	vm13 =	vgt.f32 v22, $0.0e+00;
	vm14 =	vlt.f32 v22, $0.0e+00;
	v28 =	vxor.u32 $0x80000000, v22  }
0xa0: {  	vm2 =	vgt.f32 v21, $0.0e+00;
	vm3 =	vgt.f32 v22, v21;
	vm15 =	vlt.f32 v21, $0.0e+00  }
0xa1: {  	vm8 =	vge.f32 v22, v21;
	vm10 =	vle.f32 v23, $0.0e+00;
	vm4 =	vgt.f32 v28, v21  }
0xa2: {  	v53 =	vsel vm3, $0x4, v8;
	v21 =	vxor.u32 $0x80000000, v21;
	v54 =	vsel vm15, $0x4, v6  }
0xa3: {  	v24 =	vadd.f32 v25, v24;
	v29 =	vsel vm4, $0x6, v9;
	vm9 =	vgt.f32 v22, v21  }
0xa4: {  	v22 =	vsel vm8, $0x1, v6;
	v28 =	vsel vm15, v53, v29;
	v55 =	vsel vm9, $0x2, v7  }
0xa5: {  	v24 =	vadd.f32 v26, v24;
	v28 =	vsel vm14, v28, v54;
	v22 =	vsel vm2, v22, v55  }
0xa6: {  	v21 =	vadd.f32 v26, v26;
	v22 =	vsel vm13, v22, v28;
	vm13 =	vlt.f32 v23, $0.0e+00  }
0xa7: {  	vm0 =	vge.f32 v24, $1.000000000e+00;
	vm1 =	vge.f32 v24, $4.000000000e+00;
	vm12 =	vge.f32 v24, $9.000000000e+00  }
0xa8: {  	vm11 =	vle.f32 v21, v24;
	vm14 =	vge.f32 v21, v24;
	vm15 =	vlt.f32 v24, $1.600000000e+01  }
0xa9: {  	v21 =	vsel vm10, v10, v5;
	vm7 =	vge.f32 v26, v24;
	v22 =	vshll.u32 v22, $0x2  }
0xaa: {  	v51 =	vsel vm0, $0x1, v6;
	v52 =	vsel vm12, $0x1, v6;
	vm12 =	vmor vm10, vm11  }
0xab: {  	v27 =	vsel vm1, $0x1, v6;
	vm0 =	vmand vm13, vm14;
	v23 =	vsel vm12, $0x1, v6  }
0xac: {  	v25 =	vadd.s32 v27, v51;
	v56 =	vsel vm0, $0x1, v6;
	v21 =	vadd.s32 v23, v21  }
0xad: {  	vm6 =	vmneg vm15;
	v25 =	vadd.s32 v52, v25;
	v21 =	vadd.s32 v56, v21  }
0xae: {  	vm1 =	vmand vm13, vm7;
	v23 =	vshll.u32 v25, $0x5;
	v21 =	vadd.s32 v22, v21  }
0xaf: {  	vm0 =	vmor vm6, vm1;
	v21 =	vadd.s32 v23, v21  }
0xb0: {  	v21 =	vsel vm0, v11, v21  }
0xb1: {  	v22 =	vadd.s32 s14, v12  }
0xb2: {  	v23 =	vadd.s32 s14, v13  }
0xb3: {  	v57 =	vadd.s32 s14, v14;
	_ =	sdelay $0x1  }
0xb4: {  	[tilespmem:v21+s7+$0x0] =	vst.idx.add.f32.msk $0xffff, v4  }
0xb5: {  	v21 =	vld.idx.msk [tilespmem:v22+s2+$0x0], $0xffff  }
0xb6: {  	v22 =	vld.idx.msk [tilespmem:v23+s2+$0x0], $0xffff  }
0xb7: {  	v23 =	vld.idx.msk [tilespmem:v57+s2+$0x0], $0xffff;
	_ =	sdelay $0x3  }
0xb8: {  	v58 =	vmul.f32 v21, v21  }
0xb9: {  	v59 =	vmul.f32 v22, v22;
	v60 =	vmul.f32 v23, v23  }
0xba: {  	vm0 =	vgt.f32 v22, $0.0e+00;
	vm11 =	vlt.f32 v22, $0.0e+00;
	v32 =	vxor.u32 $0x80000000, v22  }
0xbb: {  	vm13 =	vgt.f32 v22, v21;
	vm14 =	vgt.f32 v32, v21;
	v24 =	vadd.f32 v59, v58  }
0xbc: {  	vm15 =	vlt.f32 v21, $0.0e+00;
	v33 =	vsel vm13, $0x4, v8;
	v34 =	vsel vm14, $0x6, v9  }
0xbd: {  	v35 =	vsel vm15, $0x4, v6;
	v28 =	vsel vm15, v33, v34;
	v24 =	vadd.f32 v60, v24  }
0xbe: {  	vm12 =	vgt.f32 v21, $0.0e+00;
	vm13 =	vlt.f32 v23, $0.0e+00;
	v28 =	vsel vm11, v28, v35  }
0xbf: {  	vm8 =	vge.f32 v24, $1.000000000e+00;
	vm9 =	vge.f32 v24, $4.000000000e+00;
	vm10 =	vge.f32 v24, $9.000000000e+00  }
0xc0: {  	vm15 =	vlt.f32 v24, $1.600000000e+01;
	vm7 =	vge.f32 v60, v24;
	v61 =	vsel vm8, $0x1, v6  }
0xc1: {  	v62 =	vsel vm9, $0x1, v6;
	vm8 =	vge.f32 v22, v21;
	v21 =	vxor.u32 $0x80000000, v21  }
0xc2: {  	v63 =	vsel vm10, $0x1, v6;
	vm9 =	vgt.f32 v22, v21;
	v21 =	vadd.f32 v60, v60  }
0xc3: {  	vm10 =	vle.f32 v23, $0.0e+00;
	v22 =	vsel vm8, $0x1, v6;
	v36 =	vsel vm9, $0x2, v7  }
0xc4: {  	vm6 =	vmneg vm15;
	v22 =	vsel vm12, v22, v36;
	vm11 =	vle.f32 v21, v24  }
0xc5: {  	vm14 =	vge.f32 v21, v24;
	v21 =	vsel vm10, v10, v5;
	vm12 =	vmor vm10, vm11  }
0xc6: {  	v22 =	vsel vm0, v22, v28;
	vm0 =	vmand vm13, vm14;
	v23 =	vsel vm12, $0x1, v6  }
0xc7: {  	v25 =	vadd.s32 v62, v61;
	v37 =	vsel vm0, $0x1, v6;
	v21 =	vadd.s32 v23, v21  }
0xc8: {  	v25 =	vadd.s32 v63, v25;
	v22 =	vshll.u32 v22, $0x2;
	v21 =	vadd.s32 v37, v21  }
0xc9: {  	vm1 =	vmand vm13, vm7;
	v23 =	vshll.u32 v25, $0x5;
	v21 =	vadd.s32 v22, v21  }
0xca: {  	vm0 =	vmor vm6, vm1;
	v21 =	vadd.s32 v23, v21  }
0xcb: {  	v21 =	vsel vm0, v11, v21  }
0xcc: {  	v22 =	vadd.s32 s14, v15  }
0xcd: {  	v23 =	vadd.s32 s14, v16  }
0xce: {  	v38 =	vadd.s32 s14, v17;
	_ =	sdelay $0x1  }
0xcf: {  	[tilespmem:v21+s7+$0x0] =	vst.idx.add.f32.msk $0xffff, v4  }
0xd0: {  	v21 =	vld.idx.msk [tilespmem:v22+s2+$0x0], $0xffff  }
0xd1: {  	v22 =	vld.idx.msk [tilespmem:v23+s2+$0x0], $0xffff  }
0xd2: {  	v23 =	vld.idx.msk [tilespmem:v38+s2+$0x0], $0xffff;
	_ =	sdelay $0x3  }
0xd3: {  	v39 =	vmul.f32 v21, v21  }
0xd4: {  	v40 =	vmul.f32 v22, v22;
	v41 =	vmul.f32 v23, v23  }
0xd5: {  	vm0 =	vgt.f32 v22, $0.0e+00;
	vm11 =	vlt.f32 v22, $0.0e+00;
	v45 =	vxor.u32 $0x80000000, v22  }
0xd6: {  	vm13 =	vgt.f32 v22, v21;
	vm14 =	vgt.f32 v45, v21;
	v24 =	vadd.f32 v40, v39  }
0xd7: {  	vm15 =	vlt.f32 v21, $0.0e+00;
	v46 =	vsel vm13, $0x4, v8;
	v47 =	vsel vm14, $0x6, v9  }
0xd8: {  	v48 =	vsel vm15, $0x4, v6;
	v28 =	vsel vm15, v46, v47;
	v24 =	vadd.f32 v41, v24  }
0xd9: {  	vm12 =	vgt.f32 v21, $0.0e+00;
	vm13 =	vlt.f32 v23, $0.0e+00;
	v28 =	vsel vm11, v28, v48  }
0xda: {  	vm8 =	vge.f32 v24, $1.000000000e+00;
	vm9 =	vge.f32 v24, $4.000000000e+00;
	vm10 =	vge.f32 v24, $9.000000000e+00  }
0xdb: {  	vm15 =	vlt.f32 v24, $1.600000000e+01;
	vm6 =	vge.f32 v41, v24;
	v42 =	vsel vm8, $0x1, v6  }
0xdc: {  	v43 =	vsel vm9, $0x1, v6;
	vm8 =	vge.f32 v22, v21;
	v21 =	vxor.u32 $0x80000000, v21  }
0xdd: {  	v44 =	vsel vm10, $0x1, v6;
	vm9 =	vgt.f32 v22, v21;
	v21 =	vadd.f32 v41, v41  }
0xde: {  	vm10 =	vle.f32 v23, $0.0e+00;
	v22 =	vsel vm8, $0x1, v6;
	v49 =	vsel vm9, $0x2, v7  }
0xdf: {  	vm5 =	vmneg vm15;
	v22 =	vsel vm12, v22, v49;
	vm11 =	vle.f32 v21, v24  }
0xe0: {  	vm14 =	vge.f32 v21, v24;
	v21 =	vsel vm10, v10, v5;
	vm12 =	vmor vm10, vm11  }
0xe1: {  	v22 =	vsel vm0, v22, v28;
	vm0 =	vmand vm13, vm14;
	v23 =	vsel vm12, $0x1, v6  }
0xe2: {  	v25 =	vadd.s32 v43, v42;
	v50 =	vsel vm0, $0x1, v6;
	v21 =	vadd.s32 v23, v21  }
0xe3: {  	v25 =	vadd.s32 v44, v25;
	v22 =	vshll.u32 v22, $0x2;
	v21 =	vadd.s32 v50, v21  }
0xe4: {  	vm1 =	vmand vm13, vm6;
	v23 =	vshll.u32 v25, $0x5;
	v21 =	vadd.s32 v22, v21  }
0xe5: {  	vm0 =	vmor vm5, vm1;
	v21 =	vadd.s32 v23, v21  }
0xe6: {  	v21 =	vsel vm0, v11, v21  }
0xe7: {  	v22 =	vadd.s32 s14, v18  }
0xe8: {  	v23 =	vadd.s32 s14, v19  }
0xe9: {  	v51 =	vadd.s32 s14, v20;
	_ =	sdelay $0x1  }
0xea: {  	[tilespmem:v21+s7+$0x0] =	vst.idx.add.f32.msk $0xffff, v4  }
0xeb: {  	v21 =	vld.idx.msk [tilespmem:v22+s2+$0x0], $0xffff  }
0xec: {  	v22 =	vld.idx.msk [tilespmem:v23+s2+$0x0], $0xffff  }
0xed: {  	v23 =	vld.idx.msk [tilespmem:v51+s2+$0x0], $0xffff;
	_ =	sdelay $0x3  }
0xee: {  	v52 =	vmul.f32 v21, v21  }
0xef: {  	v53 =	vmul.f32 v22, v22;
	v54 =	vmul.f32 v23, v23  }
0xf0: {  	vm0 =	vgt.f32 v22, $0.0e+00;
	vm10 =	vlt.f32 v22, $0.0e+00;
	v58 =	vxor.u32 $0x80000000, v22  }
0xf1: {  	vm11 =	vgt.f32 v21, $0.0e+00;
	vm12 =	vgt.f32 v22, v21;
	v24 =	vadd.f32 v53, v52  }
0xf2: {  	vm14 =	vlt.f32 v21, $0.0e+00;
	vm15 =	vge.f32 v22, v21;
	vm13 =	vgt.f32 v58, v21  }
0xf3: {  	v59 =	vsel vm12, $0x4, v8;
	v60 =	vsel vm13, $0x6, v9;
	v24 =	vadd.f32 v54, v24  }
0xf4: {  	v21 =	vxor.u32 $0x80000000, v21;
	v61 =	vsel vm14, $0x4, v6;
	v28 =	vsel vm14, v59, v60  }
0xf5: {  	v28 =	vsel vm10, v28, v61;
	vm7 =	vge.f32 v24, $1.000000000e+00;
	vm8 =	vge.f32 v24, $4.000000000e+00  }
0xf6: {  	vm9 =	vge.f32 v24, $9.000000000e+00;
	vm13 =	vlt.f32 v24, $1.600000000e+01;
	v55 =	vsel vm7, $0x1, v6  }
0xf7: {  	v56 =	vsel vm8, $0x1, v6;
	v57 =	vsel vm9, $0x1, v6;
	vm7 =	vgt.f32 v22, v21  }
0xf8: {  	v21 =	vadd.f32 v54, v54;
	v22 =	vsel vm15, $0x1, v6;
	vm8 =	vle.f32 v23, $0.0e+00  }
0xf9: {  	vm14 =	vmneg vm13;
	vm15 =	vge.f32 v54, v24;
	v62 =	vsel vm7, $0x2, v7  }
0xfa: {  	v22 =	vsel vm11, v22, v62;
	vm9 =	vle.f32 v21, v24;
	vm11 =	vlt.f32 v23, $0.0e+00  }
0xfb: {  	vm12 =	vge.f32 v21, v24;
	v21 =	vsel vm8, v10, v5;
	vm10 =	vmor vm8, vm9  }
0xfc: {  	v22 =	vsel vm0, v22, v28;
	vm0 =	vmand vm11, vm12;
	v23 =	vsel vm10, $0x1, v6  }
0xfd: {  	v25 =	vadd.s32 v56, v55;
	v63 =	vsel vm0, $0x1, v6;
	v21 =	vadd.s32 v23, v21  }
0xfe: {  	v25 =	vadd.s32 v57, v25;
	v22 =	vshll.u32 v22, $0x2;
	v21 =	vadd.s32 v63, v21  }
0xff: {  	vm1 =	vmand vm11, vm15;
	v23 =	vshll.u32 v25, $0x5;
	v21 =	vadd.s32 v22, v21  }
0x100: {  	vm0 =	vmor vm14, vm1;
	v21 =	vadd.s32 v23, v21  }
0x101: {  	p1 =	sne.s32 s14, $0x1740;
	v21 =	vsel vm0, v11, v21  }
.Ltmp2:
0x102: {  	_ = 	snop;
	(pc) =	sbr.rel @p1 .LBB2_2-.Ltmp2, $2  }
0x103: {  	_ =	sdelay $0x2  }
0x104: {  	s14 =	sadd.s32 $0xC0, s14;
	[tilespmem:v21+s7+$0x0] =	vst.idx.add.f32.msk $0xffff, v4  }
0x105: {  	v21 =	vld [tilespmem:$0x1B80];
	_ =	sdelay $0x4  }
0x106: {  	[tilespmem:$0x1FE30] =	vst v21;
	v21 =	vld [tilespmem:$0x1C00];
	_ =	sdelay $0x4  }
0x107: {  	[tilespmem:$0x1FE40] =	vst v21;
	v21 =	vld [tilespmem:$0x1C80];
	_ =	sdelay $0x4  }
0x108: {  	[tilespmem:$0x1FE50] =	vst v21;
	v21 =	vld [tilespmem:$0x1D00];
	_ =	sdelay $0x4  }
0x109: {  	[tilespmem:$0x1FE70] =	vst v21;
	v21 =	vld [tilespmem:$0x1D80];
	_ =	sdelay $0x4  }
0x10a: {  	[tilespmem:$0x1FE90] =	vst v21;
	v21 =	vld [tilespmem:$0x1E00];
	_ =	sdelay $0x3  }
0x10b: {  	v35 =	vld [tilespmem:$0x1800]  }
0x10c: {  	[tilespmem:$0x1FEB0] =	vst v21;
	v21 =	vld [tilespmem:$0x1E80]  }
0x10d: {  	v33 =	vld [tilespmem:$0x1880]  }
0x10e: {  	v36 =	vld [tilespmem:$0x1900]  }
0x10f: {  	v38 =	vld [tilespmem:$0x1980]  }
0x110: {  	v45 =	vld [tilespmem:$0x1A00]  }
0x111: {  	[tilespmem:$0x1FED0] =	vst v21;
	v21 =	vld [tilespmem:$0x1F00]  }
0x112: {  	v48 =	vld [tilespmem:$0x1A80]  }
0x113: {  	v51 =	vld [tilespmem:$0x1B00]  }
0x114: {  	v30 =	vld [tilespmem:$0x1810]  }
0x115: {  	v28 =	vld [tilespmem:$0x1890]  }
0x116: {  	[tilespmem:$0x1FF00] =	vst v21;
	v21 =	vld [tilespmem:$0x1F80]  }
0x117: {  	v40 =	vld [tilespmem:$0x1910]  }
0x118: {  	v41 =	vld [tilespmem:$0x1990]  }
0x119: {  	v42 =	vld [tilespmem:$0x1A10]  }
0x11a: {  	v43 =	vld [tilespmem:$0x1A90]  }
0x11b: {  	[tilespmem:$0x1FF30] =	vst v21;
	v21 =	vld [tilespmem:$0x1C90]  }
0x11c: {  	v44 =	vld [tilespmem:$0x1B10]  }
0x11d: {  	v46 =	vld [tilespmem:$0x1B90]  }
0x11e: {  	v49 =	vld [tilespmem:$0x1C10]  }
0x11f: {  	v29 =	vld [tilespmem:$0x1820]  }
0x120: {  	[tilespmem:$0x1FE60] =	vst v21;
	v21 =	vld [tilespmem:$0x1D10]  }
0x121: {  	v54 =	vld [tilespmem:$0x18A0]  }
0x122: {  	v55 =	vld [tilespmem:$0x1920]  }
0x123: {  	v56 =	vld [tilespmem:$0x19A0]  }
0x124: {  	v57 =	vld [tilespmem:$0x1A20]  }
0x125: {  	[tilespmem:$0x1FE80] =	vst v21;
	v21 =	vld [tilespmem:$0x1D90]  }
0x126: {  	v58 =	vld [tilespmem:$0x1AA0]  }
0x127: {  	v53 =	vld [tilespmem:$0x1F30]  }
0x128: {  	v59 =	vld [tilespmem:$0x1B20]  }
0x129: {  	v60 =	vld [tilespmem:$0x1BA0]  }
0x12a: {  	[tilespmem:$0x1FEA0] =	vst v21;
	v21 =	vld [tilespmem:$0x1E10]  }
0x12b: {  	v61 =	vld [tilespmem:$0x1C20]  }
0x12c: {  	[tilespmem:$0x1FF60] =	vst v53;
	v53 =	vld [tilespmem:$0x1FB0]  }
0x12d: {  	v62 =	vld [tilespmem:$0x1CA0]  }
0x12e: {  	v63 =	vld [tilespmem:$0x1D20]  }
0x12f: {  	[tilespmem:$0x1FEC0] =	vst v21;
	v21 =	vld [tilespmem:$0x1E90]  }
0x130: {  	v52 =	vld [tilespmem:$0x1DA0]  }
0x131: {  	[tilespmem:$0x1FFA0] =	vst v53;
	v53 =	vld [tilespmem:$0x1840]  }
0x132: {  	v22 =	vld [tilespmem:$0x1830]  }
0x133: {  	v23 =	vld [tilespmem:$0x1930]  }
0x134: {  	[tilespmem:$0x1FEF0] =	vst v21;
	v21 =	vld [tilespmem:$0x1F10]  }
0x135: {  	v24 =	vld [tilespmem:$0x19B0]  }
0x136: {  	[tilespmem:$0x1FF80] =	vst v53;
	v53 =	vld [tilespmem:$0x18C0]  }
0x137: {  	v25 =	vld [tilespmem:$0x1A30]  }
0x138: {  	v26 =	vld [tilespmem:$0x1AB0]  }
0x139: {  	[tilespmem:$0x1FF20] =	vst v21;
	v21 =	vld [tilespmem:$0x1F90]  }
0x13a: {  	v27 =	vld [tilespmem:$0x1B30]  }
0x13b: {  	[tilespmem:$0x1FF90] =	vst v53;
	v53 =	vld [tilespmem:$0x1940]  }
0x13c: {  	v31 =	vld [tilespmem:$0x1BB0]  }
0x13d: {  	v32 =	vld [tilespmem:$0x1C30]  }
0x13e: {  	[tilespmem:$0x1FF50] =	vst v21;
	v21 =	vld [tilespmem:$0x1E20]  }
0x13f: {  	v34 =	vld [tilespmem:$0x1CB0]  }
0x140: {  	[tilespmem:$0x1FFB0] =	vst v53;
	v53 =	vld [tilespmem:$0x19C0]  }
0x141: {  	v37 =	vld [tilespmem:$0x1D30]  }
0x142: {  	v39 =	vld [tilespmem:$0x1DB0]  }
0x143: {  	[tilespmem:$0x1FEE0] =	vst v21;
	v21 =	vld [tilespmem:$0x1EA0]  }
0x144: {  	v47 =	vld [tilespmem:$0x1E30]  }
0x145: {  	[tilespmem:$0x1FFC0] =	vst v53;
	v53 =	vld [tilespmem:$0x1A40]  }
0x146: {  	v50 =	vld [tilespmem:$0x1EB0];
	v28 =	vadd.f32 v28, v30  }
0x147: {  	v33 =	vadd.f32 v33, v35;
	v35 =	vld [tilespmem:$0x1BC0]  }
0x148: {  	v40 =	vadd.f32 v40, v28;
	[tilespmem:$0x1FF10] =	vst v21;
	v21 =	vld [tilespmem:$0x1F20]  }
0x149: {  	v30 =	vld [tilespmem:$0x1C40]  }
0x14a: {  	v40 =	vadd.f32 v41, v40;
	[tilespmem:$0x1FFD0] =	vst v53;
	v53 =	vld [tilespmem:$0x1AC0]  }
0x14b: {  	v28 =	vld [tilespmem:$0x1D40]  }
0x14c: {  	v33 =	vadd.f32 v36, v33;
	v36 =	vld [tilespmem:$0x1DC0];
	v40 =	vadd.f32 v42, v40  }
0x14d: {  	[tilespmem:$0x1FF40] =	vst v21;
	v21 =	vld [tilespmem:$0x1FA0]  }
0x14e: {  	v42 =	vld [tilespmem:$0x18D0];
	v40 =	vadd.f32 v43, v40  }
0x14f: {  	[tilespmem:$0x1FFE0] =	vst v53;
	v53 =	vld [tilespmem:$0x1B40]  }
0x150: {  	v43 =	vld [tilespmem:$0x19D0];
	v40 =	vadd.f32 v44, v40  }
0x151: {  	v44 =	vld [tilespmem:$0x1AD0]  }
0x152: {  	v40 =	vadd.f32 v46, v40;
	[tilespmem:$0x1FF70] =	vst v21;
	v21 =	vld [tilespmem:$0x18B0]  }
0x153: {  	v46 =	vld [tilespmem:$0x1CD0]  }
0x154: {  	v40 =	vadd.f32 v49, v40;
	v49 =	vld [tilespmem:$0x1FE50];
	[tilespmem:$0x1FFF0] =	vst v53;
	v53 =	vadd.f32 v54, v29  }
0x155: {  	v29 =	vld [tilespmem:$0x1CC0]  }
0x156: {  	v54 =	vadd.f32 v55, v53;
	v53 =	vld [tilespmem:$0x1FE70]  }
0x157: {  	v21 =	vadd.f32 v21, v22;
	v22 =	vadd.f32 v38, v33;
	v33 =	vld [tilespmem:$0x1E40]  }
0x158: {  	v38 =	vadd.f32 v56, v54;
	v54 =	vld [tilespmem:$0x1FE80]  }
0x159: {  	v56 =	vld [tilespmem:$0x1FEA0]  }
0x15a: {  	v21 =	vadd.f32 v23, v21;
	v23 =	vld [tilespmem:$0x1EC0]  }
0x15b: {  	v55 =	vadd.f32 v45, v22;
	v22 =	vld [tilespmem:$0x1F40]  }
0x15c: {  	v45 =	vld [tilespmem:$0x1FE30]  }
0x15d: {  	v38 =	vadd.f32 v57, v38;
	v57 =	vld [tilespmem:$0x1FEB0]  }
0x15e: {  	v24 =	vadd.f32 v24, v21;
	v21 =	vld [tilespmem:$0x1FC0]  }
0x15f: {  	v41 =	vadd.f32 v48, v55;
	v48 =	vld [tilespmem:$0x1FE40]  }
0x160: {  	v55 =	vld [tilespmem:$0x1FE90]  }
0x161: {  	v38 =	vadd.f32 v58, v38;
	v58 =	vld [tilespmem:$0x1FEC0]  }
0x162: {  	v24 =	vadd.f32 v25, v24;
	v25 =	vld [tilespmem:$0x1850]  }
0x163: {  	v41 =	vadd.f32 v51, v41;
	v51 =	vld [tilespmem:$0x1FE60]  }
0x164: {  	v38 =	vadd.f32 v59, v38;
	v59 =	vld [tilespmem:$0x1FED0]  }
0x165: {  	v24 =	vadd.f32 v26, v24;
	v26 =	vld [tilespmem:$0x1950]  }
0x166: {  	v41 =	vadd.f32 v45, v41;
	v45 =	vld [tilespmem:$0x1BD0]  }
0x167: {  	v38 =	vadd.f32 v60, v38;
	v60 =	vld [tilespmem:$0x1FEE0]  }
0x168: {  	v24 =	vadd.f32 v27, v24;
	v27 =	vld [tilespmem:$0x1A50]  }
0x169: {  	v41 =	vadd.f32 v48, v41;
	v48 =	vld [tilespmem:$0x1DD0]  }
0x16a: {  	v38 =	vadd.f32 v61, v38;
	v61 =	vld [tilespmem:$0x1FEF0]  }
0x16b: {  	v40 =	vadd.f32 v51, v40;
	v51 =	vld [tilespmem:$0x1FD0]  }
0x16c: {  	v25 =	vadd.f32 v42, v25;
	v42 =	vld [tilespmem:$0x19E0]  }
0x16d: {  	v24 =	vadd.f32 v31, v24;
	v31 =	vld [tilespmem:$0x1B50]  }
0x16e: {  	v41 =	vadd.f32 v49, v41;
	v49 =	vld [tilespmem:$0x1ED0]  }
0x16f: {  	v38 =	vadd.f32 v62, v38;
	v62 =	vld [tilespmem:$0x1FF00]  }
0x170: {  	v40 =	vadd.f32 v54, v40;
	v54 =	vld [tilespmem:$0x1960]  }
0x171: {  	v24 =	vadd.f32 v32, v24;
	v32 =	vld [tilespmem:$0x1C50]  }
0x172: {  	v38 =	vadd.f32 v63, v38;
	v63 =	vld [tilespmem:$0x1FF10]  }
0x173: {  	v41 =	vadd.f32 v53, v41;
	v53 =	vld [tilespmem:$0x18F0]  }
0x174: {  	v40 =	vadd.f32 v56, v40;
	v56 =	vld [tilespmem:$0x1FF20]  }
0x175: {  	v24 =	vadd.f32 v34, v24;
	v34 =	vld [tilespmem:$0x1D50]  }
0x176: {  	v38 =	vadd.f32 v52, v38;
	v52 =	vld [tilespmem:$0x18E0]  }
0x177: {  	v41 =	vadd.f32 v55, v41;
	v40 =	vadd.f32 v58, v40;
	v58 =	vld [tilespmem:$0x1FF40]  }
0x178: {  	v24 =	vadd.f32 v37, v24;
	v37 =	vld [tilespmem:$0x1E50]  }
0x179: {  	v41 =	vadd.f32 v57, v41;
	v57 =	vld [tilespmem:$0x1FF30]  }
0x17a: {  	v38 =	vadd.f32 v60, v38;
	v60 =	vld [tilespmem:$0x1FF60]  }
0x17b: {  	v40 =	vadd.f32 v61, v40;
	v61 =	vld [tilespmem:$0x1FF70]  }
0x17c: {  	v24 =	vadd.f32 v39, v24;
	v39 =	vld [tilespmem:$0x1F50]  }
0x17d: {  	v41 =	vadd.f32 v59, v41;
	v59 =	vld [tilespmem:$0x1FF50]  }
0x17e: {  	v38 =	vadd.f32 v63, v38;
	v63 =	vld [tilespmem:$0x1FF90]  }
0x17f: {  	v24 =	vadd.f32 v47, v24;
	v41 =	vadd.f32 v62, v41;
	v62 =	vld [tilespmem:$0x1FF80]  }
0x180: {  	v47 =	vld [tilespmem:$0x1860];
	v38 =	vadd.f32 v58, v38  }
0x181: {  	v24 =	vadd.f32 v50, v24;
	v50 =	vld [tilespmem:$0x1870]  }
0x182: {  	v38 =	vadd.f32 v61, v38;
	v61 =	vld [tilespmem:$0x1FFA0]  }
0x183: {  	v24 =	vadd.f32 v60, v24;
	v60 =	vld [tilespmem:$0x1970]  }
0x184: {  	v55 =	vadd.f32 v63, v62;
	v62 =	vld [tilespmem:$0x1FFB0]  }
0x185: {  	v40 =	vadd.f32 v56, v40;
	v47 =	vadd.f32 v52, v47;
	v52 =	vld [tilespmem:$0x19F0]  }
0x186: {  	v58 =	vld [tilespmem:$0x1FFC0];
	v63 =	vadd.f32 v53, v50  }
0x187: {  	v25 =	vadd.f32 v26, v25;
	v40 =	vadd.f32 v59, v40;
	v59 =	vld [tilespmem:$0x1A70]  }
0x188: {  	v24 =	vadd.f32 v61, v24;
	v61 =	vld [tilespmem:$0x1FFD0];
	v26 =	vadd.f32 v60, v63  }
0x189: {  	v56 =	vld [tilespmem:$0x1FFE0];
	v55 =	vadd.f32 v62, v55  }
0x18a: {  	v41 =	vadd.f32 v57, v41;
	v57 =	vld [tilespmem:$0x1A60];
	v26 =	vadd.f32 v52, v26  }
0x18b: {  	v47 =	vadd.f32 v54, v47;
	v60 =	vld [tilespmem:$0x1AE0];
	v53 =	vadd.f32 v58, v55  }
0x18c: {  	v25 =	vadd.f32 v43, v25;
	v26 =	vadd.f32 v59, v26;
	v59 =	vld [tilespmem:$0x1FFF0]  }
0x18d: {  	v42 =	vadd.f32 v42, v47;
	v62 =	vld [tilespmem:$0x1AF0];
	v53 =	vadd.f32 v61, v53  }
0x18e: {  	v25 =	vadd.f32 v27, v25;
	v63 =	vld [tilespmem:$0x1B60]  }
0x18f: {  	v42 =	vadd.f32 v57, v42;
	v57 =	vld [tilespmem:$0x1B70];
	v52 =	vadd.f32 v56, v53  }
0x190: {  	v25 =	vadd.f32 v44, v25;
	v58 =	vld [tilespmem:$0x1BE0]  }
0x191: {  	v42 =	vadd.f32 v60, v42;
	v60 =	vld [tilespmem:$0x1BF0];
	v52 =	vadd.f32 v59, v52  }
0x192: {  	v25 =	vadd.f32 v31, v25;
	v61 =	vld [tilespmem:$0x1C60];
	v26 =	vadd.f32 v62, v26  }
0x193: {  	v62 =	vld [tilespmem:$0x1C70];
	v27 =	vadd.f32 v63, v42;
	v35 =	vadd.f32 v35, v52  }
0x194: {  	v25 =	vadd.f32 v45, v25;
	v63 =	vld [tilespmem:$0x1CE0];
	v26 =	vadd.f32 v57, v26  }
0x195: {  	v47 =	vld [tilespmem:$0x1CF0];
	v27 =	vadd.f32 v58, v27;
	v30 =	vadd.f32 v30, v35  }
0x196: {  	v25 =	vadd.f32 v32, v25;
	v50 =	vld [tilespmem:$0x1D60];
	v26 =	vadd.f32 v60, v26  }
0x197: {  	v27 =	vadd.f32 v61, v27;
	v52 =	vld [tilespmem:$0x1D70];
	v29 =	vadd.f32 v29, v30  }
0x198: {  	v25 =	vadd.f32 v46, v25;
	v53 =	vld [tilespmem:$0x1DE0];
	v26 =	vadd.f32 v62, v26  }
0x199: {  	v54 =	vld [tilespmem:$0x1DF0];
	v27 =	vadd.f32 v63, v27;
	v28 =	vadd.f32 v28, v29  }
0x19a: {  	v25 =	vadd.f32 v34, v25;
	v55 =	vld [tilespmem:$0x1E60];
	v26 =	vadd.f32 v47, v26  }
0x19b: {  	v56 =	vld [tilespmem:$0x1E70];
	v27 =	vadd.f32 v50, v27;
	v28 =	vadd.f32 v36, v28  }
0x19c: {  	v25 =	vadd.f32 v48, v25;
	v57 =	vld [tilespmem:$0x1EE0];
	v26 =	vadd.f32 v52, v26  }
0x19d: {  	v58 =	vld [tilespmem:$0x1EF0];
	v27 =	vadd.f32 v53, v27;
	v28 =	vadd.f32 v33, v28  }
0x19e: {  	v25 =	vadd.f32 v37, v25;
	v59 =	vld [tilespmem:$0x1F60];
	v26 =	vadd.f32 v54, v26  }
0x19f: {  	v60 =	vld [tilespmem:$0x1F70];
	v27 =	vadd.f32 v55, v27;
	v23 =	vadd.f32 v23, v28  }
0x1a0: {  	v25 =	vadd.f32 v49, v25;
	v61 =	vld [tilespmem:$0x1FE0];
	v26 =	vadd.f32 v56, v26  }
0x1a1: {  	[tilespmem:$0x2080] =	vst v41;
	v62 =	vld [tilespmem:$0x1FF0];
	v22 =	vadd.f32 v22, v23;
	v23 =	vadd.f32 v57, v27  }
0x1a2: {  	[tilespmem:$0x2180] =	vst v38;
	v25 =	vadd.f32 v39, v25;
	v26 =	vadd.f32 v58, v26  }
0x1a3: {  	[tilespmem:$0x2100] =	vst v40;
	v21 =	vadd.f32 v21, v22;
	v22 =	vadd.f32 v59, v23  }
0x1a4: {  	[tilespmem:$0x2200] =	vst v24;
	v63 =	vadd.f32 v60, v26;
	v23 =	vadd.f32 v51, v25  }
0x1a5: {  	[tilespmem:$0x2280] =	vst v21;
	v21 =	vadd.f32 v61, v22  }
0x1a6: {  	[tilespmem:$0x2300] =	vst v23;
	v22 =	vadd.f32 v62, v63  }
0x1a7: {  	[tilespmem:$0x2380] =	vst v21  }
0x1a8: {  	[tilespmem:$0x2400] =	vst v22  }
0x1a9: {  	[hbm4b:s8+s2] =	stream.linear.scatter [tilespmem:s9], [sflag:$0x2], $0x400, $0x38;
	[tilespmem:$0x3480] =	vst v63  }
.Ltmp3:
0x1aa: {  	_ =	swait.ge [sflag:s10], $0x400;
	(pc) =	sbr.rel @p0 .LBB2_5-.Ltmp3, $3  }
0x1ab: {  	[sflag:s10] =	ssyncset.done $0x0  }
0x1ac: {  	[sflag:s10] =	ssyncadd.s32 $0xFFFFFC00  }
0x1ad: {  	[bflag:$0x0] =	sbarrier.arrive $0xFFFF;
	_ =	sdelay $0x1  }
0x1ae: {  	[tilespmem:s12], [sflag:$0x2] =	stream.linear.gather [hbm4b:s11+s2], $0x1000, $0x38;
	[tilespmem:$0x3480] =	vst v63  }
0x1af: {  	_ =	swait.ge [sflag:s10], $0x1000  }
0x1b0: {  	[sflag:s10] =	ssyncset.done $0x0  }
0x1b1: {  	[sflag:s10] =	ssyncadd.s32 $0xFFFFF000  }
0x1b2: {  	v21 =	vld [tilespmem:$0x2480]  }
0x1b3: {  	v22 =	vld [tilespmem:$0x2880]  }
0x1b4: {  	v23 =	vld [tilespmem:$0x2C80]  }
0x1b5: {  	v24 =	vld [tilespmem:$0x3080]  }
0x1b6: {  	v25 =	vld [tilespmem:$0x2500]  }
0x1b7: {  	v26 =	vld [tilespmem:$0x2900]  }
0x1b8: {  	v27 =	vld [tilespmem:$0x2D00]  }
0x1b9: {  	v28 =	vld [tilespmem:$0x3100]  }
0x1ba: {  	v29 =	vld [tilespmem:$0x2580]  }
0x1bb: {  	v30 =	vld [tilespmem:$0x2980]  }
0x1bc: {  	v31 =	vld [tilespmem:$0x2D80]  }
0x1bd: {  	v32 =	vld [tilespmem:$0x3180]  }
0x1be: {  	v33 =	vld [tilespmem:$0x2600]  }
0x1bf: {  	v34 =	vld [tilespmem:$0x2A00]  }
0x1c0: {  	v35 =	vld [tilespmem:$0x2E00]  }
0x1c1: {  	v36 =	vld [tilespmem:$0x3200]  }
0x1c2: {  	v37 =	vld [tilespmem:$0x2680]  }
0x1c3: {  	v38 =	vld [tilespmem:$0x2A80]  }
0x1c4: {  	v39 =	vld [tilespmem:$0x2E80]  }
0x1c5: {  	v40 =	vld [tilespmem:$0x3280]  }
0x1c6: {  	v41 =	vld [tilespmem:$0x2700]  }
0x1c7: {  	v42 =	vld [tilespmem:$0x2B00]  }
0x1c8: {  	v43 =	vld [tilespmem:$0x2F00]  }
0x1c9: {  	v44 =	vld [tilespmem:$0x3300]  }
0x1ca: {  	v45 =	vld [tilespmem:$0x2780]  }
0x1cb: {  	v47 =	vld [tilespmem:$0x2F80]  }
0x1cc: {  	v48 =	vld [tilespmem:$0x3380];
	v21 =	vadd.f32 v22, v21;
	v22 =	vadd.f32 v24, v23  }
0x1cd: {  	v49 =	vld [tilespmem:$0x2800];
	v63 =	vadd.f32 v26, v25;
	v46 =	vadd.f32 v28, v27  }
0x1ce: {  	v52 =	vld [tilespmem:$0x2C00];
	v50 =	vadd.f32 v30, v29;
	v51 =	vadd.f32 v32, v31  }
0x1cf: {  	v55 =	vld [tilespmem:$0x3000];
	v53 =	vadd.f32 v34, v33;
	v54 =	vadd.f32 v36, v35  }
0x1d0: {  	v58 =	vld [tilespmem:$0x3400];
	v56 =	vadd.f32 v38, v37;
	v57 =	vadd.f32 v40, v39  }
0x1d1: {  	v23 =	vld [tilespmem:$0x2B80];
	v59 =	vadd.f32 v42, v41;
	v21 =	vadd.f32 v22, v21  }
0x1d2: {  	v60 =	vadd.f32 v44, v43;
	v22 =	vadd.f32 v46, v63  }
0x1d3: {  	v24 =	vadd.f32 v52, v49;
	v61 =	vadd.f32 v54, v53;
	[tilespmem:$0x2080] =	vst v21  }
0x1d4: {  	v62 =	vadd.f32 v60, v59;
	v21 =	vadd.f32 v51, v50;
	[tilespmem:$0x2100] =	vst v22  }
0x1d5: {  	v63 =	vadd.f32 v58, v55;
	v22 =	vadd.f32 v57, v56;
	[tilespmem:$0x2200] =	vst v61  }
0x1d6: {  	[tilespmem:$0x2180] =	vst v21;
	v21 =	vadd.f32 v23, v45;
	v23 =	vadd.f32 v48, v47  }
0x1d7: {  	[tilespmem:$0x2280] =	vst v22;
	v22 =	vadd.f32 v63, v24  }
0x1d8: {  	[tilespmem:$0x2300] =	vst v62;
	v21 =	vadd.f32 v23, v21  }
0x1d9: {  	[tilespmem:$0x2400] =	vst v22  }
.Ltmp4:
0x1da: {  	[tilespmem:$0x2380] =	vst v21;
	(pc) =	sbr.rel .LBB2_5-.Ltmp4, $4  }
0x1db: {  	[hbm4b:s4+s2] =	stream.linear.scatter [tilespmem:s9], [sflag:$0x2], $0x400, $0x38;
	[tilespmem:$0x3480] =	vst v63  }
0x1dc: {  	_ =	swait.ge [sflag:s10], $0x400  }
0x1dd: {  	[sflag:s10] =	ssyncset.done $0x0  }
0x1de: {  	[sflag:s10] =	ssyncadd.s32 $0xFFFFFC00  }
.LBB2_6:
0x1df: {  	_ =	sfence.sel $0x180000  }
0x1e0: {  	[bflag:$0x0] =	sbarrier.arrive $0xFFFF  }
0x1e1: {  	p0 =	sne.s32 s0, $0x0;
	_ =	strace $0x90000047  }
0x1e2: {  	s0 =	sadd.s32 @!p0 $0x100000, s1;
	[bflag:$0x2] =	sbarrier.arrive $0xFFFF  }
0x1e3: {  	[sflag:s0] =	ssyncadd.tile.s32 @!p0 $0x1;
	_ =	shalt  }
.Lfunc_end2:
_tile_overlayer_lowered:
.L_overlay_start_2:
0x1e4: {  	(tag) =	ssettag $0x2  }
0x1e5: {  	s0 =	rddreg [dreg:$0x0];
	s2 =	stileid.u32  }
0x1e6: {  	s1 =	rddreg [dreg:$0x1];
	p0 =	sne.s32 s2, $0x0  }
0x1e7: {  	s3 =	rddreg [dreg:$0x2];
	[bflag:$0x3] =	sbarrier.arrive $0xFFFF;
	s2 =	simm.s32 @!p0 $0x1C02  }
0x1e8: {  	[timem:s3], [sflag:s2] =	dma.local @!p0 [hbm:s0], s1  }
0x1e9: {  	s0 =	simm.s32 @!p0 $0x2  }
0x1ea: {  	_ =	swait.ge @!p0 [sflag:s0], s1  }
0x1eb: {  	s1 =	ssub.s32 @!p0 $0x0, s1;
	[sflag:s0] =	ssyncset.done @!p0 $0x0  }
0x1ec: {  	[sflag:s0] =	ssyncadd.s32 @!p0 s1  }
0x1ed: {  	[bflag:$0x3] =	sbarrier.arrive $0xFFFF  }
0x1ee: {  	_ =	shalt  }

</sc_bundles>
